<compile_context>
chip_gen: v7x
topology: tpu7x:2x2x1
jax: 0.10.2.dev20260603
libtpu: 0.0.44.dev20260713+nightly
codegen_flags: <defaults>
</compile_context>

<pallas_src>
import functools

import jax
import jax.numpy as jnp
from jax import lax
from jax.experimental import pallas as pl
from jax.experimental.pallas import tpu as pltpu
from jax.experimental.pallas import tpu_sc as plsc

BS, SRC, DIM, N_EMB, EMB_DIM = 1024, 200, 64, 100000, 64
TD = 3 * DIM
VB = 2048
NVB = (N_EMB + VB - 1) // VB
SRC_P = 208
TDP = 256
NW = 32
RPW = BS // NW
LANES = 16


def _sum_body(c_ref, wemb_ref, wproj_ref, bout_ref, s_ref):
    i = pl.program_id(0)
    wout = jnp.tanh(
        jnp.dot(wemb_ref[...], wproj_ref[...], preferred_element_type=jnp.float32)
    )
    l = lax.dot_general(
        c_ref[...], wout.astype(jnp.bfloat16),
        (((1,), (1,)), ((), ())), preferred_element_type=jnp.float32,
    )
    l = l + bout_ref[...][None, :]
    e = jnp.exp(l)
    col = i * VB + lax.broadcasted_iota(jnp.int32, (1, VB), 1)
    e = jnp.where(col < N_EMB, e, 0.0)
    part = jnp.sum(e, axis=1, keepdims=True)

    @pl.when(i == 0)
    def _():
        s_ref[...] = jnp.zeros_like(s_ref)

    s_ref[...] += jnp.broadcast_to(part, s_ref.shape)


def _sum_pass(c_bf, W_emb, W_proj, b_out):
    return pl.pallas_call(
        _sum_body,
        grid=(NVB,),
        in_specs=[
            pl.BlockSpec((BS, TD), lambda i: (0, 0)),
            pl.BlockSpec((VB, EMB_DIM), lambda i: (i, 0)),
            pl.BlockSpec((EMB_DIM, TD), lambda i: (0, 0)),
            pl.BlockSpec((VB,), lambda i: (i,)),
        ],
        out_specs=pl.BlockSpec((BS, 128), lambda i: (0, 0)),
        out_shape=jax.ShapeDtypeStruct((BS, 128), jnp.float32),
        compiler_params=pltpu.CompilerParams(
            dimension_semantics=("arbitrary",),
        ),
    )(c_bf, W_emb, W_proj, b_out)


def _winner_ae(xi, ae_t):
    keys = (xi * BS + jnp.arange(BS, dtype=jnp.int32)[:, None]).reshape(-1)
    pos = jnp.arange(BS * SRC, dtype=jnp.int32)
    sk, sv, sp = lax.sort((keys, ae_t.reshape(-1), pos), num_keys=1,
                          is_stable=False)

    def seg(l, r):
        kl, vl = l
        kr, vr = r
        return kr, jnp.where(kl == kr, vl, vr)
    _, prop = lax.associative_scan(seg, (sk, sv), reverse=True)
    _, ae_eff = lax.sort((sp, prop), num_keys=1, is_stable=False)
    return ae_eff.reshape(BS, SRC)


def _base_body(c_ref, wemb_ref, wproj_ref, wu_ref, bout_ref, bu_ref, s_ref,
               out_ref):
    wout = jnp.tanh(
        jnp.dot(wemb_ref[...], wproj_ref[...], preferred_element_type=jnp.float32)
    )
    c = c_ref[...]
    l = lax.dot_general(
        c, wout.astype(jnp.bfloat16),
        (((1,), (1,)), ((), ())), preferred_element_type=jnp.float32,
    ) + bout_ref[...][None, :]
    g = lax.dot_general(
        c, wu_ref[...].astype(jnp.bfloat16),
        (((1,), (1,)), ((), ())), preferred_element_type=jnp.float32,
    ) + bu_ref[...][None, :]
    inv_s = 1.0 / s_ref[...][:, 0:1]
    out_ref[...] = (jnp.exp(l) * inv_s) / (1.0 + jnp.exp(g))


def _base_pass(c_bf, W_emb, W_proj, W_u, b_out, b_u, s_cols):
    return pl.pallas_call(
        _base_body,
        grid=(NVB,),
        in_specs=[
            pl.BlockSpec((BS, TD), lambda i: (0, 0)),
            pl.BlockSpec((VB, EMB_DIM), lambda i: (i, 0)),
            pl.BlockSpec((EMB_DIM, TD), lambda i: (0, 0)),
            pl.BlockSpec((VB, TD), lambda i: (i, 0)),
            pl.BlockSpec((VB,), lambda i: (i,)),
            pl.BlockSpec((VB,), lambda i: (i,)),
            pl.BlockSpec((BS, 128), lambda i: (0, 0)),
        ],
        out_specs=pl.BlockSpec((BS, VB), lambda i: (0, i)),
        out_shape=jax.ShapeDtypeStruct((BS, N_EMB), jnp.float32),
        compiler_params=pltpu.CompilerParams(
            dimension_semantics=("parallel",),
        ),
    )(c_bf, W_emb, W_proj, W_u, b_out, b_u, s_cols)


def _sc_body(py_ref, xi_hbm, ae_hbm, c_hbm, wu_hbm,
             xi_v, ae_v, c_v, rows_v, base_v, idx_v, vals_v, sem):
    wid = lax.axis_index("s") * 2 + lax.axis_index("c")
    b0 = wid * RPW

    def row(r, _):
        b = b0 + r
        pltpu.sync_copy(xi_hbm.at[b], xi_v)
        pltpu.sync_copy(ae_hbm.at[b], ae_v)
        pltpu.sync_copy(c_hbm.at[b], c_v)
        pltpu.async_copy(wu_hbm.at[xi_v], rows_v, sem).wait()

        def mkidx(g, _):
            ids = xi_v[pl.ds(g * LANES, LANES)]
            idx_v[pl.ds(g * LANES, LANES)] = ids + b * N_EMB
            return 0
        lax.fori_loop(0, SRC_P // LANES, mkidx, 0, unroll=True)

        pltpu.async_copy(py_ref.at[idx_v], base_v, sem).wait()

        lane = lax.iota(jnp.int32, LANES)
        last = lane == (LANES - 1)

        def dots(s, _):
            acc = rows_v[s, pl.ds(0, LANES)] * c_v[pl.ds(0, LANES)]
            for j in range(1, TDP // LANES):
                acc += (rows_v[s, pl.ds(j * LANES, LANES)]
                        * c_v[pl.ds(j * LANES, LANES)])
            tot = plsc.cumsum(acc)
            idx = jnp.full((LANES,), s, jnp.int32)
            plsc.store_scatter(vals_v, [idx], tot, mask=last)
            return 0
        lax.fori_loop(0, SRC_P, dots, 0)

        def mix(g, _):
            sl = pl.ds(g * LANES, LANES)
            d = vals_v[sl]
            pu = 1.0 / (1.0 + jnp.exp(-d))
            vals_v[sl] = base_v[sl] + pu * ae_v[sl]
            return 0
        lax.fori_loop(0, SRC_P // LANES, mix, 0, unroll=True)

        pltpu.sync_copy(vals_v, py_ref.at[idx_v])
        return 0

    lax.fori_loop(0, RPW, row, 0)


def _scatter_pass(py_flat_ref, xi_p, ae_eff, c_p, W_up):
    mesh = plsc.VectorSubcoreMesh(core_axis_name="c", subcore_axis_name="s")
    f = pl.kernel(
        _sc_body,
        out_type=(),
        mesh=mesh,
        compiler_params=pltpu.CompilerParams(needs_layout_passes=False),
        scratch_types=[
            pltpu.VMEM((SRC_P,), jnp.int32),
            pltpu.VMEM((SRC_P,), jnp.float32),
            pltpu.VMEM((TDP,), jnp.float32),
            pltpu.VMEM((SRC_P, TDP), jnp.float32),
            pltpu.VMEM((SRC_P,), jnp.float32),
            pltpu.VMEM((SRC_P,), jnp.int32),
            pltpu.VMEM((SRC_P,), jnp.float32),
            pltpu.SemaphoreType.DMA,
        ],
    )
    f(py_flat_ref, xi_p, ae_eff, c_p, W_up)


def kernel(x, ae_t, ce_t, hd_t, cd_t, W_emb, W_proj, W_u, b_out, b_u):
    c_cat = jnp.concatenate([hd_t, ce_t, cd_t], axis=1)
    c_bf = c_cat.astype(jnp.bfloat16)
    xi = x[:, :, 0]
    xi_p = jnp.concatenate(
        [xi, jnp.broadcast_to(xi[:, :1], (BS, SRC_P - SRC))], axis=1)
    ae_w = _winner_ae(xi, ae_t)
    ae_eff = jnp.concatenate(
        [ae_w, jnp.broadcast_to(ae_w[:, :1], (BS, SRC_P - SRC))], axis=1)

    s_cols = _sum_pass(c_bf, W_emb, W_proj, b_out)
    p_base = _base_pass(c_bf, W_emb, W_proj, W_u, b_out, b_u, s_cols)

    W_up = jnp.concatenate(
        [W_u, b_u[:, None], jnp.zeros((N_EMB, TDP - TD - 1), W_u.dtype)], axis=1)
    c_p = jnp.concatenate(
        [c_cat, jnp.ones((BS, 1), c_cat.dtype),
         jnp.zeros((BS, TDP - TD - 1), c_cat.dtype)], axis=1)

    py_ref = jax.new_ref(p_base.reshape(BS * N_EMB))
    _scatter_pass(py_ref, xi_p, ae_eff, c_p, W_up)
    return py_ref[...].reshape(BS, N_EMB)

# --- scband reference (transcript-rebuilt; emitter-appended) ---
"""Pipeline reference for scband-pointer-generator-29463475651505 (READ-ONLY COPY).

The authoritative reference and input builder live on the scoring server;
editing this copy changes nothing except your own understanding.
"""

import jax, jax.numpy as jnp
import numpy as np

BS, SRC, DIM, N_EMB, EMB_DIM = 1024, 200, 64, 100000, 64

def setup_inputs(seed: int = 0) -> dict:
    key = jax.random.key(seed)
    ks = jax.random.split(key, 10)
    x = jax.random.randint(ks[0], (BS, SRC, 1), 0, N_EMB, dtype=jnp.int32)
    ae_t = jax.random.uniform(ks[1], (BS, SRC), dtype=jnp.float32)
    ce_t = jax.random.normal(ks[2], (BS, DIM), dtype=jnp.float32)
    hd_t = jax.random.normal(ks[3], (BS, DIM), dtype=jnp.float32)
    cd_t = jax.random.normal(ks[4], (BS, DIM), dtype=jnp.float32)
    W_emb = jax.random.normal(ks[5], (N_EMB, EMB_DIM), dtype=jnp.float32) * 0.02
    W_proj = jax.random.normal(ks[6], (EMB_DIM, 3 * DIM), dtype=jnp.float32) * 0.05
    W_u = jax.random.normal(ks[7], (N_EMB, 3 * DIM), dtype=jnp.float32) * 0.02
    b_out = jnp.zeros((N_EMB,), dtype=jnp.float32)
    b_u = jnp.zeros((N_EMB,), dtype=jnp.float32)
    return {"x": x, "ae_t": ae_t, "ce_t": ce_t, "hd_t": hd_t, "cd_t": cd_t,
            "W_emb": W_emb, "W_proj": W_proj, "W_u": W_u, "b_out": b_out, "b_u": b_u}

def reference(x, ae_t, ce_t, hd_t, cd_t, W_emb, W_proj, W_u, b_out, b_u):
    bs, src_len, _ = x.shape
    n_emb = W_emb.shape[0]
    # Weight-shared output projection (sect. 2.4): W_out = tanh(W_emb @ W_proj)
    W_out = jnp.tanh(W_emb @ W_proj)                      # [n_emb, 3*dim]
    c_cat = jnp.concatenate([hd_t, ce_t, cd_t], axis=1)   # [bs, 3*dim]
    # Generation distribution p0 (eq. softmax over vocab)
    logits = c_cat @ W_out.T + b_out[None, :]             # [bs, n_emb]
    p0 = jax.nn.softmax(logits, axis=-1)
    # Pointer distribution p1: scatter-overwrite attention weights into vocab slots
    xi = x[:, :, 0]                                       # [bs, src]
    b_idx = jnp.broadcast_to(jnp.arange(bs)[:, None], (bs, src_len))
    p1 = jnp.zeros((bs, n_emb), dtype=ae_t.dtype).at[b_idx, xi].set(ae_t)
    # Switch gate p_u (eq. 11)
    p_u = jax.nn.sigmoid(c_cat @ W_u.T + b_u[None, :])    # [bs, n_emb]
    # Mixture (eq. 12)
    p_y = p_u * p1 + (1.0 - p_u) * p0                     # [bs, n_emb]
    return p_y

if __name__ == "__main__":
    import jax
    _d = setup_inputs()
    print(jax.jit(kernel)(*tuple(_d.values())))

</pallas_src>

<mosaic_0001>
#map = affine_map<(d0, d1) -> (0)>
#map1 = affine_map<(d0, d1) -> (0, 0)>
module attributes {stable_mosaic.version = 14 : i64} {
  func.func @new_body(%arg0: i32, %arg1: i32, %arg2: memref<102400000xf32, #tpu.memory_space<hbm>>, %arg3: memref<1024x208xi32, #tpu.memory_space<hbm>>, %arg4: memref<1024x208xf32, #tpu.memory_space<hbm>>, %arg5: memref<1024x256xf32, #tpu.memory_space<hbm>>, %arg6: memref<100000x256xf32, #tpu.memory_space<hbm>>, %arg7: memref<102400000xf32, #tpu.memory_space<hbm>>, %arg8: memref<208xi32, #tpu.memory_space<vmem>>, %arg9: memref<208xf32, #tpu.memory_space<vmem>>, %arg10: memref<256xf32, #tpu.memory_space<vmem>>, %arg11: memref<208x256xf32, #tpu.memory_space<vmem>>, %arg12: memref<208xf32, #tpu.memory_space<vmem>>, %arg13: memref<208xi32, #tpu.memory_space<vmem>>, %arg14: memref<208xf32, #tpu.memory_space<vmem>>, %arg15: memref<!tpu.dma_semaphore, #tpu.memory_space<semaphore_mem>>) attributes {dimension_semantics = [#tpu.dimension_semantics<core_parallel>, #tpu.dimension_semantics<subcore_parallel>], iteration_bounds = array<i64: 2, 16>, scalar_prefetch = 0 : i64, scratch_operands = 8 : i64, tpu.core_type = #tpu.core_type<sc_vector_subcore>, window_params = [{transform_indices = #map}, {transform_indices = #map1}, {transform_indices = #map1}, {transform_indices = #map1}, {transform_indices = #map1}, {transform_indices = #map}]} {
    %mul3A = arith.constant 2 : i32
    %mul3A_0 = arith.muli %arg1, %mul3A : i32
    %add3A = arith.addi %mul3A_0, %arg0 : i32
    %mul3A_1 = arith.constant 32 : i32
    %mul3A_2 = arith.muli %add3A, %mul3A_1 : i32
    %scan3A = arith.constant 0 : i32
    %scan3A_3 = arith.constant 0 : i32
    %scan3A_4 = arith.constant 32 : i32
    %scan3A_5 = arith.addi %scan3A_3, %scan3A_4 : i32
    %scan3A_6 = arith.constant 1 : i32
    %scan3A_7 = scf.for %scan3A_9 = %scan3A_3 to %scan3A_5 step %scan3A_6 iter_args(%scan3A_10 = %scan3A) -> (i32)  : i32 {
      %add3A_11 = arith.addi %mul3A_2, %scan3A_9 : i32
      "tpu.region"() ({
        %run_scoped3A = tpu.sem_alloc : memref<!tpu.dma_semaphore, #tpu.memory_space<semaphore_mem>>
        %dma_start3A_523 = arith.constant 0 : i32
        %dma_start3A_524 = tpu.memref_slice %arg3[%add3A_11, %dma_start3A_523] : memref<1024x208xi32, #tpu.memory_space<hbm>> -> memref<1x208xi32, #tpu.memory_space<hbm>>
        %dma_start3A_525 = tpu.memref_squeeze %dma_start3A_524 : memref<1x208xi32, #tpu.memory_space<hbm>> -> memref<208xi32, #tpu.memory_space<hbm>>
        %dma_start3A_526 = arith.constant 0 : i32
        %dma_start3A_527 = tpu.memref_slice %arg3[%add3A_11, %dma_start3A_526] : memref<1024x208xi32, #tpu.memory_space<hbm>> -> memref<1x208xi32, #tpu.memory_space<hbm>>
        %dma_start3A_528 = tpu.memref_squeeze %dma_start3A_527 : memref<1x208xi32, #tpu.memory_space<hbm>> -> memref<208xi32, #tpu.memory_space<hbm>>
        tpu.enqueue_dma source(%dma_start3A_528 : memref<208xi32, #tpu.memory_space<hbm>>) target(%arg8 : memref<208xi32, #tpu.memory_space<vmem>>) target_semaphore(%run_scoped3A : memref<!tpu.dma_semaphore, #tpu.memory_space<semaphore_mem>>)
        %dma_wait3A_529 = arith.constant 0 : i32
        %dma_wait3A_530 = tpu.memref_slice %arg3[%add3A_11, %dma_wait3A_529] : memref<1024x208xi32, #tpu.memory_space<hbm>> -> memref<1x208xi32, #tpu.memory_space<hbm>>
        %dma_wait3A_531 = tpu.memref_squeeze %dma_wait3A_530 : memref<1x208xi32, #tpu.memory_space<hbm>> -> memref<208xi32, #tpu.memory_space<hbm>>
        %dma_wait3A_532 = arith.constant 0 : i32
        %dma_wait3A_533 = tpu.memref_slice %arg3[%add3A_11, %dma_wait3A_532] : memref<1024x208xi32, #tpu.memory_space<hbm>> -> memref<1x208xi32, #tpu.memory_space<hbm>>
        %dma_wait3A_534 = tpu.memref_squeeze %dma_wait3A_533 : memref<1x208xi32, #tpu.memory_space<hbm>> -> memref<208xi32, #tpu.memory_space<hbm>>
        tpu.wait_dma2 semaphore(%run_scoped3A : memref<!tpu.dma_semaphore, #tpu.memory_space<semaphore_mem>>) src(%dma_wait3A_534 : memref<208xi32, #tpu.memory_space<hbm>>) dst(%arg8 : memref<208xi32, #tpu.memory_space<vmem>>)
        tpu.yield
      }) : () -> ()
      "tpu.region"() ({
        %run_scoped3A = tpu.sem_alloc : memref<!tpu.dma_semaphore, #tpu.memory_space<semaphore_mem>>
        %dma_start3A_523 = arith.constant 0 : i32
        %dma_start3A_524 = tpu.memref_slice %arg4[%add3A_11, %dma_start3A_523] : memref<1024x208xf32, #tpu.memory_space<hbm>> -> memref<1x208xf32, #tpu.memory_space<hbm>>
        %dma_start3A_525 = tpu.memref_squeeze %dma_start3A_524 : memref<1x208xf32, #tpu.memory_space<hbm>> -> memref<208xf32, #tpu.memory_space<hbm>>
        %dma_start3A_526 = arith.constant 0 : i32
        %dma_start3A_527 = tpu.memref_slice %arg4[%add3A_11, %dma_start3A_526] : memref<1024x208xf32, #tpu.memory_space<hbm>> -> memref<1x208xf32, #tpu.memory_space<hbm>>
        %dma_start3A_528 = tpu.memref_squeeze %dma_start3A_527 : memref<1x208xf32, #tpu.memory_space<hbm>> -> memref<208xf32, #tpu.memory_space<hbm>>
        tpu.enqueue_dma source(%dma_start3A_528 : memref<208xf32, #tpu.memory_space<hbm>>) target(%arg9 : memref<208xf32, #tpu.memory_space<vmem>>) target_semaphore(%run_scoped3A : memref<!tpu.dma_semaphore, #tpu.memory_space<semaphore_mem>>)
        %dma_wait3A_529 = arith.constant 0 : i32
        %dma_wait3A_530 = tpu.memref_slice %arg4[%add3A_11, %dma_wait3A_529] : memref<1024x208xf32, #tpu.memory_space<hbm>> -> memref<1x208xf32, #tpu.memory_space<hbm>>
        %dma_wait3A_531 = tpu.memref_squeeze %dma_wait3A_530 : memref<1x208xf32, #tpu.memory_space<hbm>> -> memref<208xf32, #tpu.memory_space<hbm>>
        %dma_wait3A_532 = arith.constant 0 : i32
        %dma_wait3A_533 = tpu.memref_slice %arg4[%add3A_11, %dma_wait3A_532] : memref<1024x208xf32, #tpu.memory_space<hbm>> -> memref<1x208xf32, #tpu.memory_space<hbm>>
        %dma_wait3A_534 = tpu.memref_squeeze %dma_wait3A_533 : memref<1x208xf32, #tpu.memory_space<hbm>> -> memref<208xf32, #tpu.memory_space<hbm>>
        tpu.wait_dma2 semaphore(%run_scoped3A : memref<!tpu.dma_semaphore, #tpu.memory_space<semaphore_mem>>) src(%dma_wait3A_534 : memref<208xf32, #tpu.memory_space<hbm>>) dst(%arg9 : memref<208xf32, #tpu.memory_space<vmem>>)
        tpu.yield
      }) : () -> ()
      "tpu.region"() ({
        %run_scoped3A = tpu.sem_alloc : memref<!tpu.dma_semaphore, #tpu.memory_space<semaphore_mem>>
        %dma_start3A_523 = arith.constant 0 : i32
        %dma_start3A_524 = tpu.memref_slice %arg5[%add3A_11, %dma_start3A_523] : memref<1024x256xf32, #tpu.memory_space<hbm>> -> memref<1x256xf32, #tpu.memory_space<hbm>>
        %dma_start3A_525 = tpu.memref_squeeze %dma_start3A_524 : memref<1x256xf32, #tpu.memory_space<hbm>> -> memref<256xf32, #tpu.memory_space<hbm>>
        %dma_start3A_526 = arith.constant 0 : i32
        %dma_start3A_527 = tpu.memref_slice %arg5[%add3A_11, %dma_start3A_526] : memref<1024x256xf32, #tpu.memory_space<hbm>> -> memref<1x256xf32, #tpu.memory_space<hbm>>
        %dma_start3A_528 = tpu.memref_squeeze %dma_start3A_527 : memref<1x256xf32, #tpu.memory_space<hbm>> -> memref<256xf32, #tpu.memory_space<hbm>>
        tpu.enqueue_dma source(%dma_start3A_528 : memref<256xf32, #tpu.memory_space<hbm>>) target(%arg10 : memref<256xf32, #tpu.memory_space<vmem>>) target_semaphore(%run_scoped3A : memref<!tpu.dma_semaphore, #tpu.memory_space<semaphore_mem>>)
        %dma_wait3A_529 = arith.constant 0 : i32
        %dma_wait3A_530 = tpu.memref_slice %arg5[%add3A_11, %dma_wait3A_529] : memref<1024x256xf32, #tpu.memory_space<hbm>> -> memref<1x256xf32, #tpu.memory_space<hbm>>
        %dma_wait3A_531 = tpu.memref_squeeze %dma_wait3A_530 : memref<1x256xf32, #tpu.memory_space<hbm>> -> memref<256xf32, #tpu.memory_space<hbm>>
        %dma_wait3A_532 = arith.constant 0 : i32
        %dma_wait3A_533 = tpu.memref_slice %arg5[%add3A_11, %dma_wait3A_532] : memref<1024x256xf32, #tpu.memory_space<hbm>> -> memref<1x256xf32, #tpu.memory_space<hbm>>
        %dma_wait3A_534 = tpu.memref_squeeze %dma_wait3A_533 : memref<1x256xf32, #tpu.memory_space<hbm>> -> memref<256xf32, #tpu.memory_space<hbm>>
        tpu.wait_dma2 semaphore(%run_scoped3A : memref<!tpu.dma_semaphore, #tpu.memory_space<semaphore_mem>>) src(%dma_wait3A_534 : memref<256xf32, #tpu.memory_space<hbm>>) dst(%arg10 : memref<256xf32, #tpu.memory_space<vmem>>)
        tpu.yield
      }) : () -> ()
      %dma_start3A = arith.constant 0 : i32
      %dma_start3A_12 = arith.constant 0 : i32
      %dma_start3A_13 = tpu.memref_slice %arg6[%dma_start3A, %dma_start3A_12] : memref<100000x256xf32, #tpu.memory_space<hbm>> -> memref<100000x256xf32, #tpu.memory_space<hbm>>
      tpu.enqueue_indirect_dma source(%dma_start3A_13 : memref<100000x256xf32, #tpu.memory_space<hbm>>) target(%arg11 : memref<208x256xf32, #tpu.memory_space<vmem>>) offsets(%arg8 : memref<208xi32, #tpu.memory_space<vmem>>) semaphore(%arg15 : memref<!tpu.dma_semaphore, #tpu.memory_space<semaphore_mem>>)
      %dma_wait3A = arith.constant 0 : i32
      %dma_wait3A_14 = arith.constant 0 : i32
      %dma_wait3A_15 = tpu.memref_slice %arg6[%dma_wait3A, %dma_wait3A_14] : memref<100000x256xf32, #tpu.memory_space<hbm>> -> memref<100000x256xf32, #tpu.memory_space<hbm>>
      tpu.wait_indirect_dma semaphore(%arg15 : memref<!tpu.dma_semaphore, #tpu.memory_space<semaphore_mem>>) src(%dma_wait3A_15 : memref<100000x256xf32, #tpu.memory_space<hbm>>) dst(%arg11 : memref<208x256xf32, #tpu.memory_space<vmem>>)
      %scan3A_16 = arith.constant 0 : i32
      %scan3A_17 = arith.constant 0 : i32
      %mul3A_18 = arith.constant 16 : i32
      %mul3A_19 = arith.muli %scan3A_17, %mul3A_18 : i32
      %get3A = arith.index_cast %mul3A_19 : i32 to index
      %get3A_20 = tpu.vector_load %arg8[%get3A] {strides = array<i32>} : memref<208xi32, #tpu.memory_space<vmem>>, vector<16xi32>,
      %mul3A_21 = arith.constant 100000 : i32
      %mul3A_22 = arith.muli %add3A_11, %mul3A_21 : i32
      %add3A_23 = vector.broadcast %mul3A_22 : i32 to vector<16xi32>
      %add3A_24 = arith.addi %get3A_20, %add3A_23 : vector<16xi32>
      %mul3A_25 = arith.constant 16 : i32
      %mul3A_26 = arith.muli %scan3A_17, %mul3A_25 : i32
      %swap3A = arith.index_cast %mul3A_26 : i32 to index
      %swap3A_27 = tpu.vector_load %arg13[%swap3A] {strides = array<i32>} : memref<208xi32, #tpu.memory_space<vmem>>, vector<16xi32>,
      tpu.vector_store %arg13[%swap3A], %add3A_24 {strides = array<i32>} : memref<208xi32, #tpu.memory_space<vmem>>, vector<16xi32>,
      %scan3A_28 = arith.constant 0 : i32
      %scan3A_29 = arith.constant 1 : i32
      %mul3A_30 = arith.constant 16 : i32
      %mul3A_31 = arith.muli %scan3A_29, %mul3A_30 : i32
      %get3A_32 = arith.index_cast %mul3A_31 : i32 to index
      %get3A_33 = tpu.vector_load %arg8[%get3A_32] {strides = array<i32>} : memref<208xi32, #tpu.memory_space<vmem>>, vector<16xi32>,
      %mul3A_34 = arith.constant 100000 : i32
      %mul3A_35 = arith.muli %add3A_11, %mul3A_34 : i32
      %add3A_36 = vector.broadcast %mul3A_35 : i32 to vector<16xi32>
      %add3A_37 = arith.addi %get3A_33, %add3A_36 : vector<16xi32>
      %mul3A_38 = arith.constant 16 : i32
      %mul3A_39 = arith.muli %scan3A_29, %mul3A_38 : i32
      %swap3A_40 = arith.index_cast %mul3A_39 : i32 to index
      %swap3A_41 = tpu.vector_load %arg13[%swap3A_40] {strides = array<i32>} : memref<208xi32, #tpu.memory_space<vmem>>, vector<16xi32>,
      tpu.vector_store %arg13[%swap3A_40], %add3A_37 {strides = array<i32>} : memref<208xi32, #tpu.memory_space<vmem>>, vector<16xi32>,
      %scan3A_42 = arith.constant 0 : i32
      %scan3A_43 = arith.constant 2 : i32
      %mul3A_44 = arith.constant 16 : i32
      %mul3A_45 = arith.muli %scan3A_43, %mul3A_44 : i32
      %get3A_46 = arith.index_cast %mul3A_45 : i32 to index
      %get3A_47 = tpu.vector_load %arg8[%get3A_46] {strides = array<i32>} : memref<208xi32, #tpu.memory_space<vmem>>, vector<16xi32>,
      %mul3A_48 = arith.constant 100000 : i32
      %mul3A_49 = arith.muli %add3A_11, %mul3A_48 : i32
      %add3A_50 = vector.broadcast %mul3A_49 : i32 to vector<16xi32>
      %add3A_51 = arith.addi %get3A_47, %add3A_50 : vector<16xi32>
      %mul3A_52 = arith.constant 16 : i32
      %mul3A_53 = arith.muli %scan3A_43, %mul3A_52 : i32
      %swap3A_54 = arith.index_cast %mul3A_53 : i32 to index
      %swap3A_55 = tpu.vector_load %arg13[%swap3A_54] {strides = array<i32>} : memref<208xi32, #tpu.memory_space<vmem>>, vector<16xi32>,
      tpu.vector_store %arg13[%swap3A_54], %add3A_51 {strides = array<i32>} : memref<208xi32, #tpu.memory_space<vmem>>, vector<16xi32>,
      %scan3A_56 = arith.constant 0 : i32
      %scan3A_57 = arith.constant 3 : i32
      %mul3A_58 = arith.constant 16 : i32
      %mul3A_59 = arith.muli %scan3A_57, %mul3A_58 : i32
      %get3A_60 = arith.index_cast %mul3A_59 : i32 to index
      %get3A_61 = tpu.vector_load %arg8[%get3A_60] {strides = array<i32>} : memref<208xi32, #tpu.memory_space<vmem>>, vector<16xi32>,
      %mul3A_62 = arith.constant 100000 : i32
      %mul3A_63 = arith.muli %add3A_11, %mul3A_62 : i32
      %add3A_64 = vector.broadcast %mul3A_63 : i32 to vector<16xi32>
      %add3A_65 = arith.addi %get3A_61, %add3A_64 : vector<16xi32>
      %mul3A_66 = arith.constant 16 : i32
      %mul3A_67 = arith.muli %scan3A_57, %mul3A_66 : i32
      %swap3A_68 = arith.index_cast %mul3A_67 : i32 to index
      %swap3A_69 = tpu.vector_load %arg13[%swap3A_68] {strides = array<i32>} : memref<208xi32, #tpu.memory_space<vmem>>, vector<16xi32>,
      tpu.vector_store %arg13[%swap3A_68], %add3A_65 {strides = array<i32>} : memref<208xi32, #tpu.memory_space<vmem>>, vector<16xi32>,
      %scan3A_70 = arith.constant 0 : i32
      %scan3A_71 = arith.constant 4 : i32
      %mul3A_72 = arith.constant 16 : i32
      %mul3A_73 = arith.muli %scan3A_71, %mul3A_72 : i32
      %get3A_74 = arith.index_cast %mul3A_73 : i32 to index
      %get3A_75 = tpu.vector_load %arg8[%get3A_74] {strides = array<i32>} : memref<208xi32, #tpu.memory_space<vmem>>, vector<16xi32>,
      %mul3A_76 = arith.constant 100000 : i32
      %mul3A_77 = arith.muli %add3A_11, %mul3A_76 : i32
      %add3A_78 = vector.broadcast %mul3A_77 : i32 to vector<16xi32>
      %add3A_79 = arith.addi %get3A_75, %add3A_78 : vector<16xi32>
      %mul3A_80 = arith.constant 16 : i32
      %mul3A_81 = arith.muli %scan3A_71, %mul3A_80 : i32
      %swap3A_82 = arith.index_cast %mul3A_81 : i32 to index
      %swap3A_83 = tpu.vector_load %arg13[%swap3A_82] {strides = array<i32>} : memref<208xi32, #tpu.memory_space<vmem>>, vector<16xi32>,
      tpu.vector_store %arg13[%swap3A_82], %add3A_79 {strides = array<i32>} : memref<208xi32, #tpu.memory_space<vmem>>, vector<16xi32>,
      %scan3A_84 = arith.constant 0 : i32
      %scan3A_85 = arith.constant 5 : i32
      %mul3A_86 = arith.constant 16 : i32
      %mul3A_87 = arith.muli %scan3A_85, %mul3A_86 : i32
      %get3A_88 = arith.index_cast %mul3A_87 : i32 to index
      %get3A_89 = tpu.vector_load %arg8[%get3A_88] {strides = array<i32>} : memref<208xi32, #tpu.memory_space<vmem>>, vector<16xi32>,
      %mul3A_90 = arith.constant 100000 : i32
      %mul3A_91 = arith.muli %add3A_11, %mul3A_90 : i32
      %add3A_92 = vector.broadcast %mul3A_91 : i32 to vector<16xi32>
      %add3A_93 = arith.addi %get3A_89, %add3A_92 : vector<16xi32>
      %mul3A_94 = arith.constant 16 : i32
      %mul3A_95 = arith.muli %scan3A_85, %mul3A_94 : i32
      %swap3A_96 = arith.index_cast %mul3A_95 : i32 to index
      %swap3A_97 = tpu.vector_load %arg13[%swap3A_96] {strides = array<i32>} : memref<208xi32, #tpu.memory_space<vmem>>, vector<16xi32>,
      tpu.vector_store %arg13[%swap3A_96], %add3A_93 {strides = array<i32>} : memref<208xi32, #tpu.memory_space<vmem>>, vector<16xi32>,
      %scan3A_98 = arith.constant 0 : i32
      %scan3A_99 = arith.constant 6 : i32
      %mul3A_100 = arith.constant 16 : i32
      %mul3A_101 = arith.muli %scan3A_99, %mul3A_100 : i32
      %get3A_102 = arith.index_cast %mul3A_101 : i32 to index
      %get3A_103 = tpu.vector_load %arg8[%get3A_102] {strides = array<i32>} : memref<208xi32, #tpu.memory_space<vmem>>, vector<16xi32>,
      %mul3A_104 = arith.constant 100000 : i32
      %mul3A_105 = arith.muli %add3A_11, %mul3A_104 : i32
      %add3A_106 = vector.broadcast %mul3A_105 : i32 to vector<16xi32>
      %add3A_107 = arith.addi %get3A_103, %add3A_106 : vector<16xi32>
      %mul3A_108 = arith.constant 16 : i32
      %mul3A_109 = arith.muli %scan3A_99, %mul3A_108 : i32
      %swap3A_110 = arith.index_cast %mul3A_109 : i32 to index
      %swap3A_111 = tpu.vector_load %arg13[%swap3A_110] {strides = array<i32>} : memref<208xi32, #tpu.memory_space<vmem>>, vector<16xi32>,
      tpu.vector_store %arg13[%swap3A_110], %add3A_107 {strides = array<i32>} : memref<208xi32, #tpu.memory_space<vmem>>, vector<16xi32>,
      %scan3A_112 = arith.constant 0 : i32
      %scan3A_113 = arith.constant 7 : i32
      %mul3A_114 = arith.constant 16 : i32
      %mul3A_115 = arith.muli %scan3A_113, %mul3A_114 : i32
      %get3A_116 = arith.index_cast %mul3A_115 : i32 to index
      %get3A_117 = tpu.vector_load %arg8[%get3A_116] {strides = array<i32>} : memref<208xi32, #tpu.memory_space<vmem>>, vector<16xi32>,
      %mul3A_118 = arith.constant 100000 : i32
      %mul3A_119 = arith.muli %add3A_11, %mul3A_118 : i32
      %add3A_120 = vector.broadcast %mul3A_119 : i32 to vector<16xi32>
      %add3A_121 = arith.addi %get3A_117, %add3A_120 : vector<16xi32>
      %mul3A_122 = arith.constant 16 : i32
      %mul3A_123 = arith.muli %scan3A_113, %mul3A_122 : i32
      %swap3A_124 = arith.index_cast %mul3A_123 : i32 to index
      %swap3A_125 = tpu.vector_load %arg13[%swap3A_124] {strides = array<i32>} : memref<208xi32, #tpu.memory_space<vmem>>, vector<16xi32>,
      tpu.vector_store %arg13[%swap3A_124], %add3A_121 {strides = array<i32>} : memref<208xi32, #tpu.memory_space<vmem>>, vector<16xi32>,
      %scan3A_126 = arith.constant 0 : i32
      %scan3A_127 = arith.constant 8 : i32
      %mul3A_128 = arith.constant 16 : i32
      %mul3A_129 = arith.muli %scan3A_127, %mul3A_128 : i32
      %get3A_130 = arith.index_cast %mul3A_129 : i32 to index
      %get3A_131 = tpu.vector_load %arg8[%get3A_130] {strides = array<i32>} : memref<208xi32, #tpu.memory_space<vmem>>, vector<16xi32>,
      %mul3A_132 = arith.constant 100000 : i32
      %mul3A_133 = arith.muli %add3A_11, %mul3A_132 : i32
      %add3A_134 = vector.broadcast %mul3A_133 : i32 to vector<16xi32>
      %add3A_135 = arith.addi %get3A_131, %add3A_134 : vector<16xi32>
      %mul3A_136 = arith.constant 16 : i32
      %mul3A_137 = arith.muli %scan3A_127, %mul3A_136 : i32
      %swap3A_138 = arith.index_cast %mul3A_137 : i32 to index
      %swap3A_139 = tpu.vector_load %arg13[%swap3A_138] {strides = array<i32>} : memref<208xi32, #tpu.memory_space<vmem>>, vector<16xi32>,
      tpu.vector_store %arg13[%swap3A_138], %add3A_135 {strides = array<i32>} : memref<208xi32, #tpu.memory_space<vmem>>, vector<16xi32>,
      %scan3A_140 = arith.constant 0 : i32
      %scan3A_141 = arith.constant 9 : i32
      %mul3A_142 = arith.constant 16 : i32
      %mul3A_143 = arith.muli %scan3A_141, %mul3A_142 : i32
      %get3A_144 = arith.index_cast %mul3A_143 : i32 to index
      %get3A_145 = tpu.vector_load %arg8[%get3A_144] {strides = array<i32>} : memref<208xi32, #tpu.memory_space<vmem>>, vector<16xi32>,
      %mul3A_146 = arith.constant 100000 : i32
      %mul3A_147 = arith.muli %add3A_11, %mul3A_146 : i32
      %add3A_148 = vector.broadcast %mul3A_147 : i32 to vector<16xi32>
      %add3A_149 = arith.addi %get3A_145, %add3A_148 : vector<16xi32>
      %mul3A_150 = arith.constant 16 : i32
      %mul3A_151 = arith.muli %scan3A_141, %mul3A_150 : i32
      %swap3A_152 = arith.index_cast %mul3A_151 : i32 to index
      %swap3A_153 = tpu.vector_load %arg13[%swap3A_152] {strides = array<i32>} : memref<208xi32, #tpu.memory_space<vmem>>, vector<16xi32>,
      tpu.vector_store %arg13[%swap3A_152], %add3A_149 {strides = array<i32>} : memref<208xi32, #tpu.memory_space<vmem>>, vector<16xi32>,
      %scan3A_154 = arith.constant 0 : i32
      %scan3A_155 = arith.constant 10 : i32
      %mul3A_156 = arith.constant 16 : i32
      %mul3A_157 = arith.muli %scan3A_155, %mul3A_156 : i32
      %get3A_158 = arith.index_cast %mul3A_157 : i32 to index
      %get3A_159 = tpu.vector_load %arg8[%get3A_158] {strides = array<i32>} : memref<208xi32, #tpu.memory_space<vmem>>, vector<16xi32>,
      %mul3A_160 = arith.constant 100000 : i32
      %mul3A_161 = arith.muli %add3A_11, %mul3A_160 : i32
      %add3A_162 = vector.broadcast %mul3A_161 : i32 to vector<16xi32>
      %add3A_163 = arith.addi %get3A_159, %add3A_162 : vector<16xi32>
      %mul3A_164 = arith.constant 16 : i32
      %mul3A_165 = arith.muli %scan3A_155, %mul3A_164 : i32
      %swap3A_166 = arith.index_cast %mul3A_165 : i32 to index
      %swap3A_167 = tpu.vector_load %arg13[%swap3A_166] {strides = array<i32>} : memref<208xi32, #tpu.memory_space<vmem>>, vector<16xi32>,
      tpu.vector_store %arg13[%swap3A_166], %add3A_163 {strides = array<i32>} : memref<208xi32, #tpu.memory_space<vmem>>, vector<16xi32>,
      %scan3A_168 = arith.constant 0 : i32
      %scan3A_169 = arith.constant 11 : i32
      %mul3A_170 = arith.constant 16 : i32
      %mul3A_171 = arith.muli %scan3A_169, %mul3A_170 : i32
      %get3A_172 = arith.index_cast %mul3A_171 : i32 to index
      %get3A_173 = tpu.vector_load %arg8[%get3A_172] {strides = array<i32>} : memref<208xi32, #tpu.memory_space<vmem>>, vector<16xi32>,
      %mul3A_174 = arith.constant 100000 : i32
      %mul3A_175 = arith.muli %add3A_11, %mul3A_174 : i32
      %add3A_176 = vector.broadcast %mul3A_175 : i32 to vector<16xi32>
      %add3A_177 = arith.addi %get3A_173, %add3A_176 : vector<16xi32>
      %mul3A_178 = arith.constant 16 : i32
      %mul3A_179 = arith.muli %scan3A_169, %mul3A_178 : i32
      %swap3A_180 = arith.index_cast %mul3A_179 : i32 to index
      %swap3A_181 = tpu.vector_load %arg13[%swap3A_180] {strides = array<i32>} : memref<208xi32, #tpu.memory_space<vmem>>, vector<16xi32>,
      tpu.vector_store %arg13[%swap3A_180], %add3A_177 {strides = array<i32>} : memref<208xi32, #tpu.memory_space<vmem>>, vector<16xi32>,
      %scan3A_182 = arith.constant 0 : i32
      %scan3A_183 = arith.constant 12 : i32
      %mul3A_184 = arith.constant 16 : i32
      %mul3A_185 = arith.muli %scan3A_183, %mul3A_184 : i32
      %get3A_186 = arith.index_cast %mul3A_185 : i32 to index
      %get3A_187 = tpu.vector_load %arg8[%get3A_186] {strides = array<i32>} : memref<208xi32, #tpu.memory_space<vmem>>, vector<16xi32>,
      %mul3A_188 = arith.constant 100000 : i32
      %mul3A_189 = arith.muli %add3A_11, %mul3A_188 : i32
      %add3A_190 = vector.broadcast %mul3A_189 : i32 to vector<16xi32>
      %add3A_191 = arith.addi %get3A_187, %add3A_190 : vector<16xi32>
      %mul3A_192 = arith.constant 16 : i32
      %mul3A_193 = arith.muli %scan3A_183, %mul3A_192 : i32
      %swap3A_194 = arith.index_cast %mul3A_193 : i32 to index
      %swap3A_195 = tpu.vector_load %arg13[%swap3A_194] {strides = array<i32>} : memref<208xi32, #tpu.memory_space<vmem>>, vector<16xi32>,
      tpu.vector_store %arg13[%swap3A_194], %add3A_191 {strides = array<i32>} : memref<208xi32, #tpu.memory_space<vmem>>, vector<16xi32>,
      %scan3A_196 = arith.constant 0 : i32
      %scan3A_197 = arith.constant 13 : i32
      %dma_start3A_198 = arith.constant 0 : i32
      %dma_start3A_199 = tpu.memref_slice %arg2[%dma_start3A_198] : memref<102400000xf32, #tpu.memory_space<hbm>> -> memref<102400000xf32, #tpu.memory_space<hbm>>
      tpu.enqueue_indirect_dma source(%dma_start3A_199 : memref<102400000xf32, #tpu.memory_space<hbm>>) target(%arg12 : memref<208xf32, #tpu.memory_space<vmem>>) offsets(%arg13 : memref<208xi32, #tpu.memory_space<vmem>>) semaphore(%arg15 : memref<!tpu.dma_semaphore, #tpu.memory_space<semaphore_mem>>)
      %dma_wait3A_200 = arith.constant 0 : i32
      %dma_wait3A_201 = tpu.memref_slice %arg2[%dma_wait3A_200] : memref<102400000xf32, #tpu.memory_space<hbm>> -> memref<102400000xf32, #tpu.memory_space<hbm>>
      tpu.wait_indirect_dma semaphore(%arg15 : memref<!tpu.dma_semaphore, #tpu.memory_space<semaphore_mem>>) src(%dma_wait3A_201 : memref<102400000xf32, #tpu.memory_space<hbm>>) dst(%arg12 : memref<208xf32, #tpu.memory_space<vmem>>)
      %iota3A = tpu.iota {dimensions = array<i32: 0>} : vector<16xi32>
      %eq3A = arith.constant 15 : i32
      %eq3A_202 = vector.broadcast %eq3A : i32 to vector<16xi32>
      %eq3A_203 = arith.cmpi eq, %iota3A, %eq3A_202 : vector<16xi32>
      %scan3A_204 = arith.constant 0 : i32
      %scan3A_205 = arith.constant 0 : i32
      %scan3A_206 = arith.constant 208 : i32
      %scan3A_207 = arith.addi %scan3A_205, %scan3A_206 : i32
      %scan3A_208 = arith.constant 1 : i32
      %scan3A_209 = scf.for %scan3A_523 = %scan3A_205 to %scan3A_207 step %scan3A_208 iter_args(%scan3A_524 = %scan3A_204) -> (i32)  : i32 {
        %get3A_525 = arith.index_cast %scan3A_523 : i32 to index
        %get3A_526 = arith.constant 0 : index
        %get3A_527 = tpu.vector_load %arg11[%get3A_525, %get3A_526] {strides = array<i32>} : memref<208x256xf32, #tpu.memory_space<vmem>>, vector<16xf32>,
        %get3A_528 = arith.constant 0 : index
        %get3A_529 = tpu.vector_load %arg10[%get3A_528] {strides = array<i32>} : memref<256xf32, #tpu.memory_space<vmem>>, vector<16xf32>,
        %mul3A_530 = arith.mulf %get3A_527, %get3A_529 : vector<16xf32>
        %get3A_531 = arith.index_cast %scan3A_523 : i32 to index
        %get3A_532 = arith.constant 16 : index
        %get3A_533 = tpu.vector_load %arg11[%get3A_531, %get3A_532] {strides = array<i32>} : memref<208x256xf32, #tpu.memory_space<vmem>>, vector<16xf32>,
        %get3A_534 = arith.constant 16 : index
        %get3A_535 = tpu.vector_load %arg10[%get3A_534] {strides = array<i32>} : memref<256xf32, #tpu.memory_space<vmem>>, vector<16xf32>,
        %mul3A_536 = arith.mulf %get3A_533, %get3A_535 : vector<16xf32>
        %add3A_537 = arith.addf %mul3A_530, %mul3A_536 : vector<16xf32>
        %get3A_538 = arith.index_cast %scan3A_523 : i32 to index
        %get3A_539 = arith.constant 32 : index
        %get3A_540 = tpu.vector_load %arg11[%get3A_538, %get3A_539] {strides = array<i32>} : memref<208x256xf32, #tpu.memory_space<vmem>>, vector<16xf32>,
        %get3A_541 = arith.constant 32 : index
        %get3A_542 = tpu.vector_load %arg10[%get3A_541] {strides = array<i32>} : memref<256xf32, #tpu.memory_space<vmem>>, vector<16xf32>,
        %mul3A_543 = arith.mulf %get3A_540, %get3A_542 : vector<16xf32>
        %add3A_544 = arith.addf %add3A_537, %mul3A_543 : vector<16xf32>
        %get3A_545 = arith.index_cast %scan3A_523 : i32 to index
        %get3A_546 = arith.constant 48 : index
        %get3A_547 = tpu.vector_load %arg11[%get3A_545, %get3A_546] {strides = array<i32>} : memref<208x256xf32, #tpu.memory_space<vmem>>, vector<16xf32>,
        %get3A_548 = arith.constant 48 : index
        %get3A_549 = tpu.vector_load %arg10[%get3A_548] {strides = array<i32>} : memref<256xf32, #tpu.memory_space<vmem>>, vector<16xf32>,
        %mul3A_550 = arith.mulf %get3A_547, %get3A_549 : vector<16xf32>
        %add3A_551 = arith.addf %add3A_544, %mul3A_550 : vector<16xf32>
        %get3A_552 = arith.index_cast %scan3A_523 : i32 to index
        %get3A_553 = arith.constant 64 : index
        %get3A_554 = tpu.vector_load %arg11[%get3A_552, %get3A_553] {strides = array<i32>} : memref<208x256xf32, #tpu.memory_space<vmem>>, vector<16xf32>,
        %get3A_555 = arith.constant 64 : index
        %get3A_556 = tpu.vector_load %arg10[%get3A_555] {strides = array<i32>} : memref<256xf32, #tpu.memory_space<vmem>>, vector<16xf32>,
        %mul3A_557 = arith.mulf %get3A_554, %get3A_556 : vector<16xf32>
        %add3A_558 = arith.addf %add3A_551, %mul3A_557 : vector<16xf32>
        %get3A_559 = arith.index_cast %scan3A_523 : i32 to index
        %get3A_560 = arith.constant 80 : index
        %get3A_561 = tpu.vector_load %arg11[%get3A_559, %get3A_560] {strides = array<i32>} : memref<208x256xf32, #tpu.memory_space<vmem>>, vector<16xf32>,
        %get3A_562 = arith.constant 80 : index
        %get3A_563 = tpu.vector_load %arg10[%get3A_562] {strides = array<i32>} : memref<256xf32, #tpu.memory_space<vmem>>, vector<16xf32>,
        %mul3A_564 = arith.mulf %get3A_561, %get3A_563 : vector<16xf32>
        %add3A_565 = arith.addf %add3A_558, %mul3A_564 : vector<16xf32>
        %get3A_566 = arith.index_cast %scan3A_523 : i32 to index
        %get3A_567 = arith.constant 96 : index
        %get3A_568 = tpu.vector_load %arg11[%get3A_566, %get3A_567] {strides = array<i32>} : memref<208x256xf32, #tpu.memory_space<vmem>>, vector<16xf32>,
        %get3A_569 = arith.constant 96 : index
        %get3A_570 = tpu.vector_load %arg10[%get3A_569] {strides = array<i32>} : memref<256xf32, #tpu.memory_space<vmem>>, vector<16xf32>,
        %mul3A_571 = arith.mulf %get3A_568, %get3A_570 : vector<16xf32>
        %add3A_572 = arith.addf %add3A_565, %mul3A_571 : vector<16xf32>
        %get3A_573 = arith.index_cast %scan3A_523 : i32 to index
        %get3A_574 = arith.constant 112 : index
        %get3A_575 = tpu.vector_load %arg11[%get3A_573, %get3A_574] {strides = array<i32>} : memref<208x256xf32, #tpu.memory_space<vmem>>, vector<16xf32>,
        %get3A_576 = arith.constant 112 : index
        %get3A_577 = tpu.vector_load %arg10[%get3A_576] {strides = array<i32>} : memref<256xf32, #tpu.memory_space<vmem>>, vector<16xf32>,
        %mul3A_578 = arith.mulf %get3A_575, %get3A_577 : vector<16xf32>
        %add3A_579 = arith.addf %add3A_572, %mul3A_578 : vector<16xf32>
        %get3A_580 = arith.index_cast %scan3A_523 : i32 to index
        %get3A_581 = arith.constant 128 : index
        %get3A_582 = tpu.vector_load %arg11[%get3A_580, %get3A_581] {strides = array<i32>} : memref<208x256xf32, #tpu.memory_space<vmem>>, vector<16xf32>,
        %get3A_583 = arith.constant 128 : index
        %get3A_584 = tpu.vector_load %arg10[%get3A_583] {strides = array<i32>} : memref<256xf32, #tpu.memory_space<vmem>>, vector<16xf32>,
        %mul3A_585 = arith.mulf %get3A_582, %get3A_584 : vector<16xf32>
        %add3A_586 = arith.addf %add3A_579, %mul3A_585 : vector<16xf32>
        %get3A_587 = arith.index_cast %scan3A_523 : i32 to index
        %get3A_588 = arith.constant 144 : index
        %get3A_589 = tpu.vector_load %arg11[%get3A_587, %get3A_588] {strides = array<i32>} : memref<208x256xf32, #tpu.memory_space<vmem>>, vector<16xf32>,
        %get3A_590 = arith.constant 144 : index
        %get3A_591 = tpu.vector_load %arg10[%get3A_590] {strides = array<i32>} : memref<256xf32, #tpu.memory_space<vmem>>, vector<16xf32>,
        %mul3A_592 = arith.mulf %get3A_589, %get3A_591 : vector<16xf32>
        %add3A_593 = arith.addf %add3A_586, %mul3A_592 : vector<16xf32>
        %get3A_594 = arith.index_cast %scan3A_523 : i32 to index
        %get3A_595 = arith.constant 160 : index
        %get3A_596 = tpu.vector_load %arg11[%get3A_594, %get3A_595] {strides = array<i32>} : memref<208x256xf32, #tpu.memory_space<vmem>>, vector<16xf32>,
        %get3A_597 = arith.constant 160 : index
        %get3A_598 = tpu.vector_load %arg10[%get3A_597] {strides = array<i32>} : memref<256xf32, #tpu.memory_space<vmem>>, vector<16xf32>,
        %mul3A_599 = arith.mulf %get3A_596, %get3A_598 : vector<16xf32>
        %add3A_600 = arith.addf %add3A_593, %mul3A_599 : vector<16xf32>
        %get3A_601 = arith.index_cast %scan3A_523 : i32 to index
        %get3A_602 = arith.constant 176 : index
        %get3A_603 = tpu.vector_load %arg11[%get3A_601, %get3A_602] {strides = array<i32>} : memref<208x256xf32, #tpu.memory_space<vmem>>, vector<16xf32>,
        %get3A_604 = arith.constant 176 : index
        %get3A_605 = tpu.vector_load %arg10[%get3A_604] {strides = array<i32>} : memref<256xf32, #tpu.memory_space<vmem>>, vector<16xf32>,
        %mul3A_606 = arith.mulf %get3A_603, %get3A_605 : vector<16xf32>
        %add3A_607 = arith.addf %add3A_600, %mul3A_606 : vector<16xf32>
        %get3A_608 = arith.index_cast %scan3A_523 : i32 to index
        %get3A_609 = arith.constant 192 : index
        %get3A_610 = tpu.vector_load %arg11[%get3A_608, %get3A_609] {strides = array<i32>} : memref<208x256xf32, #tpu.memory_space<vmem>>, vector<16xf32>,
        %get3A_611 = arith.constant 192 : index
        %get3A_612 = tpu.vector_load %arg10[%get3A_611] {strides = array<i32>} : memref<256xf32, #tpu.memory_space<vmem>>, vector<16xf32>,
        %mul3A_613 = arith.mulf %get3A_610, %get3A_612 : vector<16xf32>
        %add3A_614 = arith.addf %add3A_607, %mul3A_613 : vector<16xf32>
        %get3A_615 = arith.index_cast %scan3A_523 : i32 to index
        %get3A_616 = arith.constant 208 : index
        %get3A_617 = tpu.vector_load %arg11[%get3A_615, %get3A_616] {strides = array<i32>} : memref<208x256xf32, #tpu.memory_space<vmem>>, vector<16xf32>,
        %get3A_618 = arith.constant 208 : index
        %get3A_619 = tpu.vector_load %arg10[%get3A_618] {strides = array<i32>} : memref<256xf32, #tpu.memory_space<vmem>>, vector<16xf32>,
        %mul3A_620 = arith.mulf %get3A_617, %get3A_619 : vector<16xf32>
        %add3A_621 = arith.addf %add3A_614, %mul3A_620 : vector<16xf32>
        %get3A_622 = arith.index_cast %scan3A_523 : i32 to index
        %get3A_623 = arith.constant 224 : index
        %get3A_624 = tpu.vector_load %arg11[%get3A_622, %get3A_623] {strides = array<i32>} : memref<208x256xf32, #tpu.memory_space<vmem>>, vector<16xf32>,
        %get3A_625 = arith.constant 224 : index
        %get3A_626 = tpu.vector_load %arg10[%get3A_625] {strides = array<i32>} : memref<256xf32, #tpu.memory_space<vmem>>, vector<16xf32>,
        %mul3A_627 = arith.mulf %get3A_624, %get3A_626 : vector<16xf32>
        %add3A_628 = arith.addf %add3A_621, %mul3A_627 : vector<16xf32>
        %get3A_629 = arith.index_cast %scan3A_523 : i32 to index
        %get3A_630 = arith.constant 240 : index
        %get3A_631 = tpu.vector_load %arg11[%get3A_629, %get3A_630] {strides = array<i32>} : memref<208x256xf32, #tpu.memory_space<vmem>>, vector<16xf32>,
        %get3A_632 = arith.constant 240 : index
        %get3A_633 = tpu.vector_load %arg10[%get3A_632] {strides = array<i32>} : memref<256xf32, #tpu.memory_space<vmem>>, vector<16xf32>,
        %mul3A_634 = arith.mulf %get3A_631, %get3A_633 : vector<16xf32>
        %add3A_635 = arith.addf %add3A_628, %mul3A_634 : vector<16xf32>
        %broadcast_in_dim3A = arith.constant true
        %broadcast_in_dim3A_636 = vector.broadcast %broadcast_in_dim3A : i1 to vector<16xi1>
        %masked_cumsum3A = tpu.scan <sum>, %add3A_635 masked %broadcast_in_dim3A_636 : vector<16xf32>, vector<16xi1> -> vector<16xf32>
        %broadcast_in_dim3A_637 = vector.broadcast %scan3A_523 : i32 to vector<16xi32>
        tpu.vector_store_idx %arg14[%broadcast_in_dim3A_637], %masked_cumsum3A masked %eq3A_203 : memref<208xf32, #tpu.memory_space<vmem>>[vector<16xi32>], vector<16xf32>, vector<16xi1>
        %scan3A_638 = arith.constant 0 : i32
        scf.yield %scan3A_638 : i32
      }
      %scan3A_210 = arith.constant 208 : i32
      %scan3A_211 = arith.constant 0 : i32
      %scan3A_212 = arith.constant 0 : i32
      %mul3A_213 = arith.constant 16 : i32
      %mul3A_214 = arith.muli %scan3A_212, %mul3A_213 : i32
      %get3A_215 = arith.index_cast %mul3A_214 : i32 to index
      %get3A_216 = tpu.vector_load %arg14[%get3A_215] {strides = array<i32>} : memref<208xf32, #tpu.memory_space<vmem>>, vector<16xf32>,
      %neg3A = arith.constant 0.000000e+00 : f32
      %neg3A_217 = vector.broadcast %neg3A : f32 to vector<16xf32>
      %neg3A_218 = arith.subf %neg3A_217, %get3A_216 : vector<16xf32>
      %exp3A = math.exp %neg3A_218 : vector<16xf32>
      %add3A_219 = arith.constant 1.000000e+00 : f32
      %add3A_220 = vector.broadcast %add3A_219 : f32 to vector<16xf32>
      %add3A_221 = arith.addf %add3A_220, %exp3A : vector<16xf32>
      %div3A = arith.constant 1.000000e+00 : f32
      %div3A_222 = vector.broadcast %div3A : f32 to vector<16xf32>
      %div3A_223 = arith.divf %div3A_222, %add3A_221 : vector<16xf32>
      %get3A_224 = arith.index_cast %mul3A_214 : i32 to index
      %get3A_225 = tpu.vector_load %arg12[%get3A_224] {strides = array<i32>} : memref<208xf32, #tpu.memory_space<vmem>>, vector<16xf32>,
      %get3A_226 = arith.index_cast %mul3A_214 : i32 to index
      %get3A_227 = tpu.vector_load %arg9[%get3A_226] {strides = array<i32>} : memref<208xf32, #tpu.memory_space<vmem>>, vector<16xf32>,
      %mul3A_228 = arith.mulf %div3A_223, %get3A_227 : vector<16xf32>
      %add3A_229 = arith.addf %get3A_225, %mul3A_228 : vector<16xf32>
      %swap3A_230 = arith.index_cast %mul3A_214 : i32 to index
      %swap3A_231 = tpu.vector_load %arg14[%swap3A_230] {strides = array<i32>} : memref<208xf32, #tpu.memory_space<vmem>>, vector<16xf32>,
      tpu.vector_store %arg14[%swap3A_230], %add3A_229 {strides = array<i32>} : memref<208xf32, #tpu.memory_space<vmem>>, vector<16xf32>,
      %scan3A_232 = arith.constant 0 : i32
      %scan3A_233 = arith.constant 1 : i32
      %mul3A_234 = arith.constant 16 : i32
      %mul3A_235 = arith.muli %scan3A_233, %mul3A_234 : i32
      %get3A_236 = arith.index_cast %mul3A_235 : i32 to index
      %get3A_237 = tpu.vector_load %arg14[%get3A_236] {strides = array<i32>} : memref<208xf32, #tpu.memory_space<vmem>>, vector<16xf32>,
      %neg3A_238 = arith.constant 0.000000e+00 : f32
      %neg3A_239 = vector.broadcast %neg3A_238 : f32 to vector<16xf32>
      %neg3A_240 = arith.subf %neg3A_239, %get3A_237 : vector<16xf32>
      %exp3A_241 = math.exp %neg3A_240 : vector<16xf32>
      %add3A_242 = arith.constant 1.000000e+00 : f32
      %add3A_243 = vector.broadcast %add3A_242 : f32 to vector<16xf32>
      %add3A_244 = arith.addf %add3A_243, %exp3A_241 : vector<16xf32>
      %div3A_245 = arith.constant 1.000000e+00 : f32
      %div3A_246 = vector.broadcast %div3A_245 : f32 to vector<16xf32>
      %div3A_247 = arith.divf %div3A_246, %add3A_244 : vector<16xf32>
      %get3A_248 = arith.index_cast %mul3A_235 : i32 to index
      %get3A_249 = tpu.vector_load %arg12[%get3A_248] {strides = array<i32>} : memref<208xf32, #tpu.memory_space<vmem>>, vector<16xf32>,
      %get3A_250 = arith.index_cast %mul3A_235 : i32 to index
      %get3A_251 = tpu.vector_load %arg9[%get3A_250] {strides = array<i32>} : memref<208xf32, #tpu.memory_space<vmem>>, vector<16xf32>,
      %mul3A_252 = arith.mulf %div3A_247, %get3A_251 : vector<16xf32>
      %add3A_253 = arith.addf %get3A_249, %mul3A_252 : vector<16xf32>
      %swap3A_254 = arith.index_cast %mul3A_235 : i32 to index
      %swap3A_255 = tpu.vector_load %arg14[%swap3A_254] {strides = array<i32>} : memref<208xf32, #tpu.memory_space<vmem>>, vector<16xf32>,
      tpu.vector_store %arg14[%swap3A_254], %add3A_253 {strides = array<i32>} : memref<208xf32, #tpu.memory_space<vmem>>, vector<16xf32>,
      %scan3A_256 = arith.constant 0 : i32
      %scan3A_257 = arith.constant 2 : i32
      %mul3A_258 = arith.constant 16 : i32
      %mul3A_259 = arith.muli %scan3A_257, %mul3A_258 : i32
      %get3A_260 = arith.index_cast %mul3A_259 : i32 to index
      %get3A_261 = tpu.vector_load %arg14[%get3A_260] {strides = array<i32>} : memref<208xf32, #tpu.memory_space<vmem>>, vector<16xf32>,
      %neg3A_262 = arith.constant 0.000000e+00 : f32
      %neg3A_263 = vector.broadcast %neg3A_262 : f32 to vector<16xf32>
      %neg3A_264 = arith.subf %neg3A_263, %get3A_261 : vector<16xf32>
      %exp3A_265 = math.exp %neg3A_264 : vector<16xf32>
      %add3A_266 = arith.constant 1.000000e+00 : f32
      %add3A_267 = vector.broadcast %add3A_266 : f32 to vector<16xf32>
      %add3A_268 = arith.addf %add3A_267, %exp3A_265 : vector<16xf32>
      %div3A_269 = arith.constant 1.000000e+00 : f32
      %div3A_270 = vector.broadcast %div3A_269 : f32 to vector<16xf32>
      %div3A_271 = arith.divf %div3A_270, %add3A_268 : vector<16xf32>
      %get3A_272 = arith.index_cast %mul3A_259 : i32 to index
      %get3A_273 = tpu.vector_load %arg12[%get3A_272] {strides = array<i32>} : memref<208xf32, #tpu.memory_space<vmem>>, vector<16xf32>,
      %get3A_274 = arith.index_cast %mul3A_259 : i32 to index
      %get3A_275 = tpu.vector_load %arg9[%get3A_274] {strides = array<i32>} : memref<208xf32, #tpu.memory_space<vmem>>, vector<16xf32>,
      %mul3A_276 = arith.mulf %div3A_271, %get3A_275 : vector<16xf32>
      %add3A_277 = arith.addf %get3A_273, %mul3A_276 : vector<16xf32>
      %swap3A_278 = arith.index_cast %mul3A_259 : i32 to index
      %swap3A_279 = tpu.vector_load %arg14[%swap3A_278] {strides = array<i32>} : memref<208xf32, #tpu.memory_space<vmem>>, vector<16xf32>,
      tpu.vector_store %arg14[%swap3A_278], %add3A_277 {strides = array<i32>} : memref<208xf32, #tpu.memory_space<vmem>>, vector<16xf32>,
      %scan3A_280 = arith.constant 0 : i32
      %scan3A_281 = arith.constant 3 : i32
      %mul3A_282 = arith.constant 16 : i32
      %mul3A_283 = arith.muli %scan3A_281, %mul3A_282 : i32
      %get3A_284 = arith.index_cast %mul3A_283 : i32 to index
      %get3A_285 = tpu.vector_load %arg14[%get3A_284] {strides = array<i32>} : memref<208xf32, #tpu.memory_space<vmem>>, vector<16xf32>,
      %neg3A_286 = arith.constant 0.000000e+00 : f32
      %neg3A_287 = vector.broadcast %neg3A_286 : f32 to vector<16xf32>
      %neg3A_288 = arith.subf %neg3A_287, %get3A_285 : vector<16xf32>
      %exp3A_289 = math.exp %neg3A_288 : vector<16xf32>
      %add3A_290 = arith.constant 1.000000e+00 : f32
      %add3A_291 = vector.broadcast %add3A_290 : f32 to vector<16xf32>
      %add3A_292 = arith.addf %add3A_291, %exp3A_289 : vector<16xf32>
      %div3A_293 = arith.constant 1.000000e+00 : f32
      %div3A_294 = vector.broadcast %div3A_293 : f32 to vector<16xf32>
      %div3A_295 = arith.divf %div3A_294, %add3A_292 : vector<16xf32>
      %get3A_296 = arith.index_cast %mul3A_283 : i32 to index
      %get3A_297 = tpu.vector_load %arg12[%get3A_296] {strides = array<i32>} : memref<208xf32, #tpu.memory_space<vmem>>, vector<16xf32>,
      %get3A_298 = arith.index_cast %mul3A_283 : i32 to index
      %get3A_299 = tpu.vector_load %arg9[%get3A_298] {strides = array<i32>} : memref<208xf32, #tpu.memory_space<vmem>>, vector<16xf32>,
      %mul3A_300 = arith.mulf %div3A_295, %get3A_299 : vector<16xf32>
      %add3A_301 = arith.addf %get3A_297, %mul3A_300 : vector<16xf32>
      %swap3A_302 = arith.index_cast %mul3A_283 : i32 to index
      %swap3A_303 = tpu.vector_load %arg14[%swap3A_302] {strides = array<i32>} : memref<208xf32, #tpu.memory_space<vmem>>, vector<16xf32>,
      tpu.vector_store %arg14[%swap3A_302], %add3A_301 {strides = array<i32>} : memref<208xf32, #tpu.memory_space<vmem>>, vector<16xf32>,
      %scan3A_304 = arith.constant 0 : i32
      %scan3A_305 = arith.constant 4 : i32
      %mul3A_306 = arith.constant 16 : i32
      %mul3A_307 = arith.muli %scan3A_305, %mul3A_306 : i32
      %get3A_308 = arith.index_cast %mul3A_307 : i32 to index
      %get3A_309 = tpu.vector_load %arg14[%get3A_308] {strides = array<i32>} : memref<208xf32, #tpu.memory_space<vmem>>, vector<16xf32>,
      %neg3A_310 = arith.constant 0.000000e+00 : f32
      %neg3A_311 = vector.broadcast %neg3A_310 : f32 to vector<16xf32>
      %neg3A_312 = arith.subf %neg3A_311, %get3A_309 : vector<16xf32>
      %exp3A_313 = math.exp %neg3A_312 : vector<16xf32>
      %add3A_314 = arith.constant 1.000000e+00 : f32
      %add3A_315 = vector.broadcast %add3A_314 : f32 to vector<16xf32>
      %add3A_316 = arith.addf %add3A_315, %exp3A_313 : vector<16xf32>
      %div3A_317 = arith.constant 1.000000e+00 : f32
      %div3A_318 = vector.broadcast %div3A_317 : f32 to vector<16xf32>
      %div3A_319 = arith.divf %div3A_318, %add3A_316 : vector<16xf32>
      %get3A_320 = arith.index_cast %mul3A_307 : i32 to index
      %get3A_321 = tpu.vector_load %arg12[%get3A_320] {strides = array<i32>} : memref<208xf32, #tpu.memory_space<vmem>>, vector<16xf32>,
      %get3A_322 = arith.index_cast %mul3A_307 : i32 to index
      %get3A_323 = tpu.vector_load %arg9[%get3A_322] {strides = array<i32>} : memref<208xf32, #tpu.memory_space<vmem>>, vector<16xf32>,
      %mul3A_324 = arith.mulf %div3A_319, %get3A_323 : vector<16xf32>
      %add3A_325 = arith.addf %get3A_321, %mul3A_324 : vector<16xf32>
      %swap3A_326 = arith.index_cast %mul3A_307 : i32 to index
      %swap3A_327 = tpu.vector_load %arg14[%swap3A_326] {strides = array<i32>} : memref<208xf32, #tpu.memory_space<vmem>>, vector<16xf32>,
      tpu.vector_store %arg14[%swap3A_326], %add3A_325 {strides = array<i32>} : memref<208xf32, #tpu.memory_space<vmem>>, vector<16xf32>,
      %scan3A_328 = arith.constant 0 : i32
      %scan3A_329 = arith.constant 5 : i32
      %mul3A_330 = arith.constant 16 : i32
      %mul3A_331 = arith.muli %scan3A_329, %mul3A_330 : i32
      %get3A_332 = arith.index_cast %mul3A_331 : i32 to index
      %get3A_333 = tpu.vector_load %arg14[%get3A_332] {strides = array<i32>} : memref<208xf32, #tpu.memory_space<vmem>>, vector<16xf32>,
      %neg3A_334 = arith.constant 0.000000e+00 : f32
      %neg3A_335 = vector.broadcast %neg3A_334 : f32 to vector<16xf32>
      %neg3A_336 = arith.subf %neg3A_335, %get3A_333 : vector<16xf32>
      %exp3A_337 = math.exp %neg3A_336 : vector<16xf32>
      %add3A_338 = arith.constant 1.000000e+00 : f32
      %add3A_339 = vector.broadcast %add3A_338 : f32 to vector<16xf32>
      %add3A_340 = arith.addf %add3A_339, %exp3A_337 : vector<16xf32>
      %div3A_341 = arith.constant 1.000000e+00 : f32
      %div3A_342 = vector.broadcast %div3A_341 : f32 to vector<16xf32>
      %div3A_343 = arith.divf %div3A_342, %add3A_340 : vector<16xf32>
      %get3A_344 = arith.index_cast %mul3A_331 : i32 to index
      %get3A_345 = tpu.vector_load %arg12[%get3A_344] {strides = array<i32>} : memref<208xf32, #tpu.memory_space<vmem>>, vector<16xf32>,
      %get3A_346 = arith.index_cast %mul3A_331 : i32 to index
      %get3A_347 = tpu.vector_load %arg9[%get3A_346] {strides = array<i32>} : memref<208xf32, #tpu.memory_space<vmem>>, vector<16xf32>,
      %mul3A_348 = arith.mulf %div3A_343, %get3A_347 : vector<16xf32>
      %add3A_349 = arith.addf %get3A_345, %mul3A_348 : vector<16xf32>
      %swap3A_350 = arith.index_cast %mul3A_331 : i32 to index
      %swap3A_351 = tpu.vector_load %arg14[%swap3A_350] {strides = array<i32>} : memref<208xf32, #tpu.memory_space<vmem>>, vector<16xf32>,
      tpu.vector_store %arg14[%swap3A_350], %add3A_349 {strides = array<i32>} : memref<208xf32, #tpu.memory_space<vmem>>, vector<16xf32>,
      %scan3A_352 = arith.constant 0 : i32
      %scan3A_353 = arith.constant 6 : i32
      %mul3A_354 = arith.constant 16 : i32
      %mul3A_355 = arith.muli %scan3A_353, %mul3A_354 : i32
      %get3A_356 = arith.index_cast %mul3A_355 : i32 to index
      %get3A_357 = tpu.vector_load %arg14[%get3A_356] {strides = array<i32>} : memref<208xf32, #tpu.memory_space<vmem>>, vector<16xf32>,
      %neg3A_358 = arith.constant 0.000000e+00 : f32
      %neg3A_359 = vector.broadcast %neg3A_358 : f32 to vector<16xf32>
      %neg3A_360 = arith.subf %neg3A_359, %get3A_357 : vector<16xf32>
      %exp3A_361 = math.exp %neg3A_360 : vector<16xf32>
      %add3A_362 = arith.constant 1.000000e+00 : f32
      %add3A_363 = vector.broadcast %add3A_362 : f32 to vector<16xf32>
      %add3A_364 = arith.addf %add3A_363, %exp3A_361 : vector<16xf32>
      %div3A_365 = arith.constant 1.000000e+00 : f32
      %div3A_366 = vector.broadcast %div3A_365 : f32 to vector<16xf32>
      %div3A_367 = arith.divf %div3A_366, %add3A_364 : vector<16xf32>
      %get3A_368 = arith.index_cast %mul3A_355 : i32 to index
      %get3A_369 = tpu.vector_load %arg12[%get3A_368] {strides = array<i32>} : memref<208xf32, #tpu.memory_space<vmem>>, vector<16xf32>,
      %get3A_370 = arith.index_cast %mul3A_355 : i32 to index
      %get3A_371 = tpu.vector_load %arg9[%get3A_370] {strides = array<i32>} : memref<208xf32, #tpu.memory_space<vmem>>, vector<16xf32>,
      %mul3A_372 = arith.mulf %div3A_367, %get3A_371 : vector<16xf32>
      %add3A_373 = arith.addf %get3A_369, %mul3A_372 : vector<16xf32>
      %swap3A_374 = arith.index_cast %mul3A_355 : i32 to index
      %swap3A_375 = tpu.vector_load %arg14[%swap3A_374] {strides = array<i32>} : memref<208xf32, #tpu.memory_space<vmem>>, vector<16xf32>,
      tpu.vector_store %arg14[%swap3A_374], %add3A_373 {strides = array<i32>} : memref<208xf32, #tpu.memory_space<vmem>>, vector<16xf32>,
      %scan3A_376 = arith.constant 0 : i32
      %scan3A_377 = arith.constant 7 : i32
      %mul3A_378 = arith.constant 16 : i32
      %mul3A_379 = arith.muli %scan3A_377, %mul3A_378 : i32
      %get3A_380 = arith.index_cast %mul3A_379 : i32 to index
      %get3A_381 = tpu.vector_load %arg14[%get3A_380] {strides = array<i32>} : memref<208xf32, #tpu.memory_space<vmem>>, vector<16xf32>,
      %neg3A_382 = arith.constant 0.000000e+00 : f32
      %neg3A_383 = vector.broadcast %neg3A_382 : f32 to vector<16xf32>
      %neg3A_384 = arith.subf %neg3A_383, %get3A_381 : vector<16xf32>
      %exp3A_385 = math.exp %neg3A_384 : vector<16xf32>
      %add3A_386 = arith.constant 1.000000e+00 : f32
      %add3A_387 = vector.broadcast %add3A_386 : f32 to vector<16xf32>
      %add3A_388 = arith.addf %add3A_387, %exp3A_385 : vector<16xf32>
      %div3A_389 = arith.constant 1.000000e+00 : f32
      %div3A_390 = vector.broadcast %div3A_389 : f32 to vector<16xf32>
      %div3A_391 = arith.divf %div3A_390, %add3A_388 : vector<16xf32>
      %get3A_392 = arith.index_cast %mul3A_379 : i32 to index
      %get3A_393 = tpu.vector_load %arg12[%get3A_392] {strides = array<i32>} : memref<208xf32, #tpu.memory_space<vmem>>, vector<16xf32>,
      %get3A_394 = arith.index_cast %mul3A_379 : i32 to index
      %get3A_395 = tpu.vector_load %arg9[%get3A_394] {strides = array<i32>} : memref<208xf32, #tpu.memory_space<vmem>>, vector<16xf32>,
      %mul3A_396 = arith.mulf %div3A_391, %get3A_395 : vector<16xf32>
      %add3A_397 = arith.addf %get3A_393, %mul3A_396 : vector<16xf32>
      %swap3A_398 = arith.index_cast %mul3A_379 : i32 to index
      %swap3A_399 = tpu.vector_load %arg14[%swap3A_398] {strides = array<i32>} : memref<208xf32, #tpu.memory_space<vmem>>, vector<16xf32>,
      tpu.vector_store %arg14[%swap3A_398], %add3A_397 {strides = array<i32>} : memref<208xf32, #tpu.memory_space<vmem>>, vector<16xf32>,
      %scan3A_400 = arith.constant 0 : i32
      %scan3A_401 = arith.constant 8 : i32
      %mul3A_402 = arith.constant 16 : i32
      %mul3A_403 = arith.muli %scan3A_401, %mul3A_402 : i32
      %get3A_404 = arith.index_cast %mul3A_403 : i32 to index
      %get3A_405 = tpu.vector_load %arg14[%get3A_404] {strides = array<i32>} : memref<208xf32, #tpu.memory_space<vmem>>, vector<16xf32>,
      %neg3A_406 = arith.constant 0.000000e+00 : f32
      %neg3A_407 = vector.broadcast %neg3A_406 : f32 to vector<16xf32>
      %neg3A_408 = arith.subf %neg3A_407, %get3A_405 : vector<16xf32>
      %exp3A_409 = math.exp %neg3A_408 : vector<16xf32>
      %add3A_410 = arith.constant 1.000000e+00 : f32
      %add3A_411 = vector.broadcast %add3A_410 : f32 to vector<16xf32>
      %add3A_412 = arith.addf %add3A_411, %exp3A_409 : vector<16xf32>
      %div3A_413 = arith.constant 1.000000e+00 : f32
      %div3A_414 = vector.broadcast %div3A_413 : f32 to vector<16xf32>
      %div3A_415 = arith.divf %div3A_414, %add3A_412 : vector<16xf32>
      %get3A_416 = arith.index_cast %mul3A_403 : i32 to index
      %get3A_417 = tpu.vector_load %arg12[%get3A_416] {strides = array<i32>} : memref<208xf32, #tpu.memory_space<vmem>>, vector<16xf32>,
      %get3A_418 = arith.index_cast %mul3A_403 : i32 to index
      %get3A_419 = tpu.vector_load %arg9[%get3A_418] {strides = array<i32>} : memref<208xf32, #tpu.memory_space<vmem>>, vector<16xf32>,
      %mul3A_420 = arith.mulf %div3A_415, %get3A_419 : vector<16xf32>
      %add3A_421 = arith.addf %get3A_417, %mul3A_420 : vector<16xf32>
      %swap3A_422 = arith.index_cast %mul3A_403 : i32 to index
      %swap3A_423 = tpu.vector_load %arg14[%swap3A_422] {strides = array<i32>} : memref<208xf32, #tpu.memory_space<vmem>>, vector<16xf32>,
      tpu.vector_store %arg14[%swap3A_422], %add3A_421 {strides = array<i32>} : memref<208xf32, #tpu.memory_space<vmem>>, vector<16xf32>,
      %scan3A_424 = arith.constant 0 : i32
      %scan3A_425 = arith.constant 9 : i32
      %mul3A_426 = arith.constant 16 : i32
      %mul3A_427 = arith.muli %scan3A_425, %mul3A_426 : i32
      %get3A_428 = arith.index_cast %mul3A_427 : i32 to index
      %get3A_429 = tpu.vector_load %arg14[%get3A_428] {strides = array<i32>} : memref<208xf32, #tpu.memory_space<vmem>>, vector<16xf32>,
      %neg3A_430 = arith.constant 0.000000e+00 : f32
      %neg3A_431 = vector.broadcast %neg3A_430 : f32 to vector<16xf32>
      %neg3A_432 = arith.subf %neg3A_431, %get3A_429 : vector<16xf32>
      %exp3A_433 = math.exp %neg3A_432 : vector<16xf32>
      %add3A_434 = arith.constant 1.000000e+00 : f32
      %add3A_435 = vector.broadcast %add3A_434 : f32 to vector<16xf32>
      %add3A_436 = arith.addf %add3A_435, %exp3A_433 : vector<16xf32>
      %div3A_437 = arith.constant 1.000000e+00 : f32
      %div3A_438 = vector.broadcast %div3A_437 : f32 to vector<16xf32>
      %div3A_439 = arith.divf %div3A_438, %add3A_436 : vector<16xf32>
      %get3A_440 = arith.index_cast %mul3A_427 : i32 to index
      %get3A_441 = tpu.vector_load %arg12[%get3A_440] {strides = array<i32>} : memref<208xf32, #tpu.memory_space<vmem>>, vector<16xf32>,
      %get3A_442 = arith.index_cast %mul3A_427 : i32 to index
      %get3A_443 = tpu.vector_load %arg9[%get3A_442] {strides = array<i32>} : memref<208xf32, #tpu.memory_space<vmem>>, vector<16xf32>,
      %mul3A_444 = arith.mulf %div3A_439, %get3A_443 : vector<16xf32>
      %add3A_445 = arith.addf %get3A_441, %mul3A_444 : vector<16xf32>
      %swap3A_446 = arith.index_cast %mul3A_427 : i32 to index
      %swap3A_447 = tpu.vector_load %arg14[%swap3A_446] {strides = array<i32>} : memref<208xf32, #tpu.memory_space<vmem>>, vector<16xf32>,
      tpu.vector_store %arg14[%swap3A_446], %add3A_445 {strides = array<i32>} : memref<208xf32, #tpu.memory_space<vmem>>, vector<16xf32>,
      %scan3A_448 = arith.constant 0 : i32
      %scan3A_449 = arith.constant 10 : i32
      %mul3A_450 = arith.constant 16 : i32
      %mul3A_451 = arith.muli %scan3A_449, %mul3A_450 : i32
      %get3A_452 = arith.index_cast %mul3A_451 : i32 to index
      %get3A_453 = tpu.vector_load %arg14[%get3A_452] {strides = array<i32>} : memref<208xf32, #tpu.memory_space<vmem>>, vector<16xf32>,
      %neg3A_454 = arith.constant 0.000000e+00 : f32
      %neg3A_455 = vector.broadcast %neg3A_454 : f32 to vector<16xf32>
      %neg3A_456 = arith.subf %neg3A_455, %get3A_453 : vector<16xf32>
      %exp3A_457 = math.exp %neg3A_456 : vector<16xf32>
      %add3A_458 = arith.constant 1.000000e+00 : f32
      %add3A_459 = vector.broadcast %add3A_458 : f32 to vector<16xf32>
      %add3A_460 = arith.addf %add3A_459, %exp3A_457 : vector<16xf32>
      %div3A_461 = arith.constant 1.000000e+00 : f32
      %div3A_462 = vector.broadcast %div3A_461 : f32 to vector<16xf32>
      %div3A_463 = arith.divf %div3A_462, %add3A_460 : vector<16xf32>
      %get3A_464 = arith.index_cast %mul3A_451 : i32 to index
      %get3A_465 = tpu.vector_load %arg12[%get3A_464] {strides = array<i32>} : memref<208xf32, #tpu.memory_space<vmem>>, vector<16xf32>,
      %get3A_466 = arith.index_cast %mul3A_451 : i32 to index
      %get3A_467 = tpu.vector_load %arg9[%get3A_466] {strides = array<i32>} : memref<208xf32, #tpu.memory_space<vmem>>, vector<16xf32>,
      %mul3A_468 = arith.mulf %div3A_463, %get3A_467 : vector<16xf32>
      %add3A_469 = arith.addf %get3A_465, %mul3A_468 : vector<16xf32>
      %swap3A_470 = arith.index_cast %mul3A_451 : i32 to index
      %swap3A_471 = tpu.vector_load %arg14[%swap3A_470] {strides = array<i32>} : memref<208xf32, #tpu.memory_space<vmem>>, vector<16xf32>,
      tpu.vector_store %arg14[%swap3A_470], %add3A_469 {strides = array<i32>} : memref<208xf32, #tpu.memory_space<vmem>>, vector<16xf32>,
      %scan3A_472 = arith.constant 0 : i32
      %scan3A_473 = arith.constant 11 : i32
      %mul3A_474 = arith.constant 16 : i32
      %mul3A_475 = arith.muli %scan3A_473, %mul3A_474 : i32
      %get3A_476 = arith.index_cast %mul3A_475 : i32 to index
      %get3A_477 = tpu.vector_load %arg14[%get3A_476] {strides = array<i32>} : memref<208xf32, #tpu.memory_space<vmem>>, vector<16xf32>,
      %neg3A_478 = arith.constant 0.000000e+00 : f32
      %neg3A_479 = vector.broadcast %neg3A_478 : f32 to vector<16xf32>
      %neg3A_480 = arith.subf %neg3A_479, %get3A_477 : vector<16xf32>
      %exp3A_481 = math.exp %neg3A_480 : vector<16xf32>
      %add3A_482 = arith.constant 1.000000e+00 : f32
      %add3A_483 = vector.broadcast %add3A_482 : f32 to vector<16xf32>
      %add3A_484 = arith.addf %add3A_483, %exp3A_481 : vector<16xf32>
      %div3A_485 = arith.constant 1.000000e+00 : f32
      %div3A_486 = vector.broadcast %div3A_485 : f32 to vector<16xf32>
      %div3A_487 = arith.divf %div3A_486, %add3A_484 : vector<16xf32>
      %get3A_488 = arith.index_cast %mul3A_475 : i32 to index
      %get3A_489 = tpu.vector_load %arg12[%get3A_488] {strides = array<i32>} : memref<208xf32, #tpu.memory_space<vmem>>, vector<16xf32>,
      %get3A_490 = arith.index_cast %mul3A_475 : i32 to index
      %get3A_491 = tpu.vector_load %arg9[%get3A_490] {strides = array<i32>} : memref<208xf32, #tpu.memory_space<vmem>>, vector<16xf32>,
      %mul3A_492 = arith.mulf %div3A_487, %get3A_491 : vector<16xf32>
      %add3A_493 = arith.addf %get3A_489, %mul3A_492 : vector<16xf32>
      %swap3A_494 = arith.index_cast %mul3A_475 : i32 to index
      %swap3A_495 = tpu.vector_load %arg14[%swap3A_494] {strides = array<i32>} : memref<208xf32, #tpu.memory_space<vmem>>, vector<16xf32>,
      tpu.vector_store %arg14[%swap3A_494], %add3A_493 {strides = array<i32>} : memref<208xf32, #tpu.memory_space<vmem>>, vector<16xf32>,
      %scan3A_496 = arith.constant 0 : i32
      %scan3A_497 = arith.constant 12 : i32
      %mul3A_498 = arith.constant 16 : i32
      %mul3A_499 = arith.muli %scan3A_497, %mul3A_498 : i32
      %get3A_500 = arith.index_cast %mul3A_499 : i32 to index
      %get3A_501 = tpu.vector_load %arg14[%get3A_500] {strides = array<i32>} : memref<208xf32, #tpu.memory_space<vmem>>, vector<16xf32>,
      %neg3A_502 = arith.constant 0.000000e+00 : f32
      %neg3A_503 = vector.broadcast %neg3A_502 : f32 to vector<16xf32>
      %neg3A_504 = arith.subf %neg3A_503, %get3A_501 : vector<16xf32>
      %exp3A_505 = math.exp %neg3A_504 : vector<16xf32>
      %add3A_506 = arith.constant 1.000000e+00 : f32
      %add3A_507 = vector.broadcast %add3A_506 : f32 to vector<16xf32>
      %add3A_508 = arith.addf %add3A_507, %exp3A_505 : vector<16xf32>
      %div3A_509 = arith.constant 1.000000e+00 : f32
      %div3A_510 = vector.broadcast %div3A_509 : f32 to vector<16xf32>
      %div3A_511 = arith.divf %div3A_510, %add3A_508 : vector<16xf32>
      %get3A_512 = arith.index_cast %mul3A_499 : i32 to index
      %get3A_513 = tpu.vector_load %arg12[%get3A_512] {strides = array<i32>} : memref<208xf32, #tpu.memory_space<vmem>>, vector<16xf32>,
      %get3A_514 = arith.index_cast %mul3A_499 : i32 to index
      %get3A_515 = tpu.vector_load %arg9[%get3A_514] {strides = array<i32>} : memref<208xf32, #tpu.memory_space<vmem>>, vector<16xf32>,
      %mul3A_516 = arith.mulf %div3A_511, %get3A_515 : vector<16xf32>
      %add3A_517 = arith.addf %get3A_513, %mul3A_516 : vector<16xf32>
      %swap3A_518 = arith.index_cast %mul3A_499 : i32 to index
      %swap3A_519 = tpu.vector_load %arg14[%swap3A_518] {strides = array<i32>} : memref<208xf32, #tpu.memory_space<vmem>>, vector<16xf32>,
      tpu.vector_store %arg14[%swap3A_518], %add3A_517 {strides = array<i32>} : memref<208xf32, #tpu.memory_space<vmem>>, vector<16xf32>,
      %scan3A_520 = arith.constant 0 : i32
      %scan3A_521 = arith.constant 13 : i32
      "tpu.region"() ({
        %run_scoped3A = tpu.sem_alloc : memref<!tpu.dma_semaphore, #tpu.memory_space<semaphore_mem>>
        %dma_start3A_523 = arith.constant 0 : i32
        %dma_start3A_524 = tpu.memref_slice %arg2[%dma_start3A_523] : memref<102400000xf32, #tpu.memory_space<hbm>> -> memref<102400000xf32, #tpu.memory_space<hbm>>
        tpu.enqueue_indirect_dma source(%arg14 : memref<208xf32, #tpu.memory_space<vmem>>) target(%dma_start3A_524 : memref<102400000xf32, #tpu.memory_space<hbm>>) offsets(%arg13 : memref<208xi32, #tpu.memory_space<vmem>>) semaphore(%run_scoped3A : memref<!tpu.dma_semaphore, #tpu.memory_space<semaphore_mem>>)
        %dma_wait3A_525 = arith.constant 0 : i32
        %dma_wait3A_526 = tpu.memref_slice %arg2[%dma_wait3A_525] : memref<102400000xf32, #tpu.memory_space<hbm>> -> memref<102400000xf32, #tpu.memory_space<hbm>>
        tpu.wait_indirect_dma semaphore(%run_scoped3A : memref<!tpu.dma_semaphore, #tpu.memory_space<semaphore_mem>>) src(%arg14 : memref<208xf32, #tpu.memory_space<vmem>>) dst(%dma_wait3A_526 : memref<102400000xf32, #tpu.memory_space<hbm>>)
        tpu.yield
      }) : () -> ()
      %scan3A_522 = arith.constant 0 : i32
      scf.yield %scan3A_522 : i32
    }
    %scan3A_8 = arith.constant 32 : i32
    return
  }
}

module attributes {stable_mosaic.version = 14 : i64} {
  func.func @_sum_body(%arg0: i32, %arg1: memref<1024x192xbf16, #tpu.memory_space<vmem>>, %arg2: memref<2048x64xf32, #tpu.memory_space<vmem>>, %arg3: memref<64x192xf32, #tpu.memory_space<vmem>>, %arg4: memref<2048xf32, #tpu.memory_space<vmem>>, %arg5: memref<1024x128xf32, #tpu.memory_space<vmem>>) attributes {dimension_semantics = [#tpu.dimension_semantics<arbitrary>], iteration_bounds = array<i64: 49>, scalar_prefetch = 0 : i64, scratch_operands = 0 : i64, tpu.core_type = #tpu.core_type<tc>, window_params = [{pipeline_mode = #tpu.pipeline_mode<synchronous>, transform_indices = @transform_0, window_bounds = array<i64: 1024, 192>}, {transform_indices = @transform_1, window_bounds = array<i64: 2048, 64>}, {pipeline_mode = #tpu.pipeline_mode<synchronous>, transform_indices = @transform_2, window_bounds = array<i64: 64, 192>}, {transform_indices = @transform_3, window_bounds = array<i64: 2048>}, {pipeline_mode = #tpu.pipeline_mode<synchronous>, transform_indices = @transform_4, window_bounds = array<i64: 1024, 128>}]} {
    %get3A = arith.constant 0 : index
    %get3A_0 = arith.constant 0 : index
    %get3A_1 = vector.load %arg2[%get3A, %get3A_0] : memref<2048x64xf32, #tpu.memory_space<vmem>>, vector<2048x64xf32>
    %get3A_2 = arith.constant 0 : index
    %get3A_3 = arith.constant 0 : index
    %get3A_4 = vector.load %arg3[%get3A_2, %get3A_3] : memref<64x192xf32, #tpu.memory_space<vmem>>, vector<64x192xf32>
    %dot_general3A = arith.constant dense<0.000000e+00> : vector<2048x192xf32>
    %dot_general3A_5 = tpu.matmul %get3A_1, %get3A_4, %dot_general3A {dimension_numbers = #tpu.dot_dimension_numbers<[1], [0], [0], [1], [0, 0, 1, 1], [], []>, transpose_lhs_hint = false} : vector<2048x64xf32>, vector<64x192xf32>, vector<2048x192xf32> -> vector<2048x192xf32>
    %tanh3A = math.tanh %dot_general3A_5 : vector<2048x192xf32>
    %get3A_6 = arith.constant 0 : index
    %get3A_7 = arith.constant 0 : index
    %get3A_8 = vector.load %arg1[%get3A_6, %get3A_7] : memref<1024x192xbf16, #tpu.memory_space<vmem>>, vector<1024x192xbf16>
    %convert_element_type3A = arith.truncf %tanh3A : vector<2048x192xf32> to vector<2048x192xbf16>
    %dot_general3A_9 = arith.constant dense<0.000000e+00> : vector<1024x2048xf32>
    %dot_general3A_10 = tpu.matmul %get3A_8, %convert_element_type3A, %dot_general3A_9 {dimension_numbers = #tpu.dot_dimension_numbers<[1], [1], [0], [0], [0, 0, 1, 0], [], []>, transpose_lhs_hint = false} : vector<1024x192xbf16>, vector<2048x192xbf16>, vector<1024x2048xf32> -> vector<1024x2048xf32>
    %get3A_11 = arith.constant 0 : index
    %get3A_12 = vector.load %arg4[%get3A_11] : memref<2048xf32, #tpu.memory_space<vmem>>, vector<2048xf32>
    %broadcast_in_dim3A = vector.shape_cast %get3A_12 : vector<2048xf32> to vector<1x2048xf32>
    %add3A = vector.broadcast %broadcast_in_dim3A : vector<1x2048xf32> to vector<1024x2048xf32>
    %add3A_13 = arith.addf %dot_general3A_10, %add3A : vector<1024x2048xf32>
    %exp3A = math.exp %add3A_13 : vector<1024x2048xf32>
    %mul3A = arith.constant 2048 : i32
    %mul3A_14 = arith.muli %arg0, %mul3A : i32
    %iota3A = tpu.iota {dimensions = array<i32: 1>} : vector<1x2048xi32>
    %add3A_15 = vector.broadcast %mul3A_14 : i32 to vector<1x2048xi32>
    %add3A_16 = arith.addi %add3A_15, %iota3A : vector<1x2048xi32>
    %lt3A = arith.constant 100000 : i32
    %lt3A_17 = vector.broadcast %lt3A : i32 to vector<1x2048xi32>
    %lt3A_18 = arith.cmpi slt, %add3A_16, %lt3A_17 : vector<1x2048xi32>
    %jit3A = arith.constant 0.000000e+00 : f32
    %broadcast_in_dim3A_19 = vector.shape_cast %lt3A_18 : vector<1x2048xi1> to vector<1x2048xi1>
    %broadcast_in_dim3A_20 = vector.broadcast %broadcast_in_dim3A_19 : vector<1x2048xi1> to vector<1024x2048xi1>
    %broadcast_in_dim3A_21 = vector.broadcast %jit3A : f32 to vector<1024x2048xf32>
    %select_n3A = arith.select %broadcast_in_dim3A_20, %exp3A, %broadcast_in_dim3A_21 : vector<1024x2048xi1>, vector<1024x2048xf32>
    %reduce_sum3A = arith.constant dense<0.000000e+00> : vector<1024xf32>
    %reduce_sum3A_22 = vector.multi_reduction <add>, %select_n3A, %reduce_sum3A [1] : vector<1024x2048xf32> to vector<1024xf32>
    %broadcast_in_dim3A_23 = vector.shape_cast %reduce_sum3A_22 : vector<1024xf32> to vector<1024x1xf32>
    %eq3A = arith.constant 0 : i32
    %eq3A_24 = arith.cmpi eq, %arg0, %eq3A : i32
    %convert_element_type3A_25 = arith.extui %eq3A_24 : i1 to i32
    %cond3A = arith.constant 0 : i32
    %cond3A_26 = arith.cmpi ne, %convert_element_type3A_25, %cond3A : i32
    scf.if %cond3A_26 {
      %broadcast_in_dim3A_35 = arith.constant 0.000000e+00 : f32
      %broadcast_in_dim3A_36 = vector.broadcast %broadcast_in_dim3A_35 : f32 to vector<1024x128xf32>
      %swap3A_37 = arith.constant 0 : index
      %swap3A_38 = arith.constant 0 : index
      %swap3A_39 = vector.load %arg5[%swap3A_37, %swap3A_38] : memref<1024x128xf32, #tpu.memory_space<vmem>>, vector<1024x128xf32>
      tpu.vector_store %arg5[%swap3A_37, %swap3A_38], %broadcast_in_dim3A_36 {strides = array<i32>} : memref<1024x128xf32, #tpu.memory_space<vmem>>, vector<1024x128xf32>,
    } else {
    }
    %get3A_27 = arith.constant 0 : index
    %get3A_28 = arith.constant 0 : index
    %get3A_29 = vector.load %arg5[%get3A_27, %get3A_28] : memref<1024x128xf32, #tpu.memory_space<vmem>>, vector<1024x128xf32>
    %broadcast_in_dim3A_30 = vector.shape_cast %broadcast_in_dim3A_23 : vector<1024x1xf32> to vector<1024x1xf32>
    %broadcast_in_dim3A_31 = vector.broadcast %broadcast_in_dim3A_30 : vector<1024x1xf32> to vector<1024x128xf32>
    %add3A_32 = arith.addf %get3A_29, %broadcast_in_dim3A_31 : vector<1024x128xf32>
    %swap3A = arith.constant 0 : index
    %swap3A_33 = arith.constant 0 : index
    %swap3A_34 = vector.load %arg5[%swap3A, %swap3A_33] : memref<1024x128xf32, #tpu.memory_space<vmem>>, vector<1024x128xf32>
    tpu.vector_store %arg5[%swap3A, %swap3A_33], %add3A_32 {strides = array<i32>} : memref<1024x128xf32, #tpu.memory_space<vmem>>, vector<1024x128xf32>,
    return
  }
  func.func @transform_0(%arg0: i32) -> (i32, i32) {
    %c0_i32 = arith.constant 0 : i32
    %c0_i32_0 = arith.constant 0 : i32
    %c0_i32_1 = arith.constant 0 : i32
    return %c0_i32, %c0_i32_0 : i32, i32
  }
  func.func @transform_1(%arg0: i32) -> (i32, i32) {
    %c0_i32 = arith.constant 0 : i32
    %c0_i32_0 = arith.constant 0 : i32
    return %arg0, %c0_i32 : i32, i32
  }
  func.func @transform_2(%arg0: i32) -> (i32, i32) {
    %c0_i32 = arith.constant 0 : i32
    %c0_i32_0 = arith.constant 0 : i32
    %c0_i32_1 = arith.constant 0 : i32
    return %c0_i32, %c0_i32_0 : i32, i32
  }
  func.func @transform_3(%arg0: i32) -> i32 {
    %c0_i32 = arith.constant 0 : i32
    return %arg0 : i32
  }
  func.func @transform_4(%arg0: i32) -> (i32, i32) {
    %c0_i32 = arith.constant 0 : i32
    %c0_i32_0 = arith.constant 0 : i32
    %c0_i32_1 = arith.constant 0 : i32
    return %c0_i32, %c0_i32_0 : i32, i32
  }
}

module attributes {stable_mosaic.version = 14 : i64} {
  func.func @_base_body(%arg0: i32, %arg1: memref<1024x192xbf16, #tpu.memory_space<vmem>>, %arg2: memref<2048x64xf32, #tpu.memory_space<vmem>>, %arg3: memref<64x192xf32, #tpu.memory_space<vmem>>, %arg4: memref<2048x192xf32, #tpu.memory_space<vmem>>, %arg5: memref<2048xf32, #tpu.memory_space<vmem>>, %arg6: memref<2048xf32, #tpu.memory_space<vmem>>, %arg7: memref<1024x128xf32, #tpu.memory_space<vmem>>, %arg8: memref<1024x2048xf32, #tpu.memory_space<vmem>>) attributes {dimension_semantics = [#tpu.dimension_semantics<parallel>], iteration_bounds = array<i64: 49>, scalar_prefetch = 0 : i64, scratch_operands = 0 : i64, tpu.core_type = #tpu.core_type<tc>, window_params = [{pipeline_mode = #tpu.pipeline_mode<synchronous>, transform_indices = @transform_0, window_bounds = array<i64: 1024, 192>}, {transform_indices = @transform_1, window_bounds = array<i64: 2048, 64>}, {pipeline_mode = #tpu.pipeline_mode<synchronous>, transform_indices = @transform_2, window_bounds = array<i64: 64, 192>}, {transform_indices = @transform_3, window_bounds = array<i64: 2048, 192>}, {transform_indices = @transform_4, window_bounds = array<i64: 2048>}, {transform_indices = @transform_5, window_bounds = array<i64: 2048>}, {pipeline_mode = #tpu.pipeline_mode<synchronous>, transform_indices = @transform_6, window_bounds = array<i64: 1024, 128>}, {transform_indices = @transform_7, window_bounds = array<i64: 1024, 2048>}]} {
    %get3A = arith.constant 0 : index
    %get3A_0 = arith.constant 0 : index
    %get3A_1 = vector.load %arg2[%get3A, %get3A_0] : memref<2048x64xf32, #tpu.memory_space<vmem>>, vector<2048x64xf32>
    %get3A_2 = arith.constant 0 : index
    %get3A_3 = arith.constant 0 : index
    %get3A_4 = vector.load %arg3[%get3A_2, %get3A_3] : memref<64x192xf32, #tpu.memory_space<vmem>>, vector<64x192xf32>
    %dot_general3A = arith.constant dense<0.000000e+00> : vector<2048x192xf32>
    %dot_general3A_5 = tpu.matmul %get3A_1, %get3A_4, %dot_general3A {dimension_numbers = #tpu.dot_dimension_numbers<[1], [0], [0], [1], [0, 0, 1, 1], [], []>, transpose_lhs_hint = false} : vector<2048x64xf32>, vector<64x192xf32>, vector<2048x192xf32> -> vector<2048x192xf32>
    %tanh3A = math.tanh %dot_general3A_5 : vector<2048x192xf32>
    %get3A_6 = arith.constant 0 : index
    %get3A_7 = arith.constant 0 : index
    %get3A_8 = vector.load %arg1[%get3A_6, %get3A_7] : memref<1024x192xbf16, #tpu.memory_space<vmem>>, vector<1024x192xbf16>
    %convert_element_type3A = arith.truncf %tanh3A : vector<2048x192xf32> to vector<2048x192xbf16>
    %dot_general3A_9 = arith.constant dense<0.000000e+00> : vector<1024x2048xf32>
    %dot_general3A_10 = tpu.matmul %get3A_8, %convert_element_type3A, %dot_general3A_9 {dimension_numbers = #tpu.dot_dimension_numbers<[1], [1], [0], [0], [0, 0, 1, 0], [], []>, transpose_lhs_hint = false} : vector<1024x192xbf16>, vector<2048x192xbf16>, vector<1024x2048xf32> -> vector<1024x2048xf32>
    %get3A_11 = arith.constant 0 : index
    %get3A_12 = vector.load %arg5[%get3A_11] : memref<2048xf32, #tpu.memory_space<vmem>>, vector<2048xf32>
    %broadcast_in_dim3A = vector.shape_cast %get3A_12 : vector<2048xf32> to vector<1x2048xf32>
    %add3A = vector.broadcast %broadcast_in_dim3A : vector<1x2048xf32> to vector<1024x2048xf32>
    %add3A_13 = arith.addf %dot_general3A_10, %add3A : vector<1024x2048xf32>
    %get3A_14 = arith.constant 0 : index
    %get3A_15 = arith.constant 0 : index
    %get3A_16 = vector.load %arg4[%get3A_14, %get3A_15] : memref<2048x192xf32, #tpu.memory_space<vmem>>, vector<2048x192xf32>
    %convert_element_type3A_17 = arith.truncf %get3A_16 : vector<2048x192xf32> to vector<2048x192xbf16>
    %dot_general3A_18 = arith.constant dense<0.000000e+00> : vector<1024x2048xf32>
    %dot_general3A_19 = tpu.matmul %get3A_8, %convert_element_type3A_17, %dot_general3A_18 {dimension_numbers = #tpu.dot_dimension_numbers<[1], [1], [0], [0], [0, 0, 1, 0], [], []>, transpose_lhs_hint = false} : vector<1024x192xbf16>, vector<2048x192xbf16>, vector<1024x2048xf32> -> vector<1024x2048xf32>
    %get3A_20 = arith.constant 0 : index
    %get3A_21 = vector.load %arg6[%get3A_20] : memref<2048xf32, #tpu.memory_space<vmem>>, vector<2048xf32>
    %broadcast_in_dim3A_22 = vector.shape_cast %get3A_21 : vector<2048xf32> to vector<1x2048xf32>
    %add3A_23 = vector.broadcast %broadcast_in_dim3A_22 : vector<1x2048xf32> to vector<1024x2048xf32>
    %add3A_24 = arith.addf %dot_general3A_19, %add3A_23 : vector<1024x2048xf32>
    %get3A_25 = arith.constant 0 : index
    %get3A_26 = arith.constant 0 : index
    %get3A_27 = vector.load %arg7[%get3A_25, %get3A_26] : memref<1024x128xf32, #tpu.memory_space<vmem>>, vector<1024x128xf32>
    %slice3A = vector.extract_strided_slice %get3A_27 {offsets = [0, 0], sizes = [1024, 1], strides = [1, 1]} : vector<1024x128xf32> to vector<1024x1xf32>
    %div3A = arith.constant 1.000000e+00 : f32
    %div3A_28 = vector.broadcast %div3A : f32 to vector<1024x1xf32>
    %div3A_29 = arith.divf %div3A_28, %slice3A : vector<1024x1xf32>
    %exp3A = math.exp %add3A_13 : vector<1024x2048xf32>
    %mul3A = vector.broadcast %div3A_29 : vector<1024x1xf32> to vector<1024x2048xf32>
    %mul3A_30 = arith.mulf %exp3A, %mul3A : vector<1024x2048xf32>
    %exp3A_31 = math.exp %add3A_24 : vector<1024x2048xf32>
    %add3A_32 = arith.constant 1.000000e+00 : f32
    %add3A_33 = vector.broadcast %add3A_32 : f32 to vector<1024x2048xf32>
    %add3A_34 = arith.addf %add3A_33, %exp3A_31 : vector<1024x2048xf32>
    %div3A_35 = arith.divf %mul3A_30, %add3A_34 : vector<1024x2048xf32>
    %swap3A = arith.constant 0 : index
    %swap3A_36 = arith.constant 0 : index
    %swap3A_37 = vector.load %arg8[%swap3A, %swap3A_36] : memref<1024x2048xf32, #tpu.memory_space<vmem>>, vector<1024x2048xf32>
    tpu.vector_store %arg8[%swap3A, %swap3A_36], %div3A_35 {strides = array<i32>} : memref<1024x2048xf32, #tpu.memory_space<vmem>>, vector<1024x2048xf32>,
    return
  }
  func.func @transform_0(%arg0: i32) -> (i32, i32) {
    %c0_i32 = arith.constant 0 : i32
    %c0_i32_0 = arith.constant 0 : i32
    %c0_i32_1 = arith.constant 0 : i32
    return %c0_i32, %c0_i32_0 : i32, i32
  }
  func.func @transform_1(%arg0: i32) -> (i32, i32) {
    %c0_i32 = arith.constant 0 : i32
    %c0_i32_0 = arith.constant 0 : i32
    return %arg0, %c0_i32 : i32, i32
  }
  func.func @transform_2(%arg0: i32) -> (i32, i32) {
    %c0_i32 = arith.constant 0 : i32
    %c0_i32_0 = arith.constant 0 : i32
    %c0_i32_1 = arith.constant 0 : i32
    return %c0_i32, %c0_i32_0 : i32, i32
  }
  func.func @transform_3(%arg0: i32) -> (i32, i32) {
    %c0_i32 = arith.constant 0 : i32
    %c0_i32_0 = arith.constant 0 : i32
    return %arg0, %c0_i32 : i32, i32
  }
  func.func @transform_4(%arg0: i32) -> i32 {
    %c0_i32 = arith.constant 0 : i32
    return %arg0 : i32
  }
  func.func @transform_5(%arg0: i32) -> i32 {
    %c0_i32 = arith.constant 0 : i32
    return %arg0 : i32
  }
  func.func @transform_6(%arg0: i32) -> (i32, i32) {
    %c0_i32 = arith.constant 0 : i32
    %c0_i32_0 = arith.constant 0 : i32
    %c0_i32_1 = arith.constant 0 : i32
    return %c0_i32, %c0_i32_0 : i32, i32
  }
  func.func @transform_7(%arg0: i32) -> (i32, i32) {
    %c0_i32 = arith.constant 0 : i32
    %c0_i32_0 = arith.constant 0 : i32
    return %c0_i32, %arg0 : i32, i32
  }
}

</mosaic_0001>

<sc_bundles>
// kernel: kernel.5.cloned.1.call-start
scs
__scs_entry_jumppad:
0x0: {  	(pc) =	sbr.rel $0x88, $3  }
0x1: {  	(tag) =	ssettag $0x0;
	lr =	simm.s32 $0x1  }
0x2: {  	[smem:$0x3F97] =	sst lr;
	_ =	strace $0xD0000000  }
0x3: {  	_ = 	snop  }
0x4: {  	_ = 	snop  }
0x5: {  	_ = 	snop  }
0x6: {  	_ = 	snop  }
0x7: {  	_ = 	snop  }
__scs_overlays_trampoline_lowered:
0x8: {  	[smem:$0x3FA6] =	sst s0  }
0x9: {  	[smem:$0x3FA7] =	sst s1  }
0xa: {  	[smem:$0x3FA8] =	sst s2  }
0xb: {  	[smem:$0x3FA9] =	sst s3  }
0xc: {  	[smem:$0x3FAA] =	sst s4  }
0xd: {  	[smem:$0x3FAB] =	sst s5  }
0xe: {  	[smem:$0x3FAC] =	sst s6  }
0xf: {  	[smem:$0x3FAD] =	sst s7  }
0x10: {  	[smem:$0x3FAE] =	sst s8  }
0x11: {  	[smem:$0x3FAF] =	sst s9;
	s0 =	simm.s32 @!p0 $0x0  }
0x12: {  	s1 =	sld [smem:$0x3F95];
	s0 =	simm.s32 @p0 $0x1  }
0x13: {  	[smem:$0x3FB0] =	sst s0;
	s0 =	simm.s32 @!p1 $0x0  }
0x14: {  	s2 =	sld [smem:$0x3F94];
	s0 =	simm.s32 @p1 $0x1  }
0x15: {  	[smem:$0x3FB1] =	sst s0;
	s0 =	simm.s32 @!p2 $0x0  }
0x16: {  	s3 =	sld [smem:$0x3FDB];
	s0 =	simm.s32 @p2 $0x1  }
0x17: {  	s4 =	simm.s32 $0x1BF5;
	[smem:$0x3FB3] =	sst s0  }
0x18: {  	s0 =	sld [smem:$0x3F96];
	_ =	swait.ge [sflag:s4], $0x0  }
0x19: {  	s7 =	sld [smem:$0x3F97]  }
0x1a: {  	s8 =	sadd.s32 $0xFFFFE003, lr  }
0x1b: {  	s9 =	sadd.s32 $0xFFFFFEF7, lr;
	s5 =	simm.s32 $0xFFFFFFFF;
	p2 =	slt.u32 s8, $0xFFFFF086  }
0x1c: {  	p1 =	slt.u32 s9, $0xF7A;
	s5 =	simm.s32 @!p2 $0x0  }
0x1d: {  	s5 =	simm.s32 @p1 $0x1;
	p0 =	seq.s32 s7, s2  }
0x1e: {  	s7 =	smul.u32 @!p0 $0xF7A, s2;
	p2 =	seq.s32 @!p0 s5, $0x0  }
0x1f: {  	s9 =	smul.u32 $0xF7A, s1;
	s8 =	simm.s32 @!p0 $0x1BF5;
	p2 =	por !p2, p0  }
0x20: {  	[sflag:s8] =	ssyncset.s32 @!p0 $0xFFFFF086;
	s6 =	sadd.s32 @!p0 s3, s7;
	s7 =	simm.s32 @!p0 $0x108  }
0x21: {  	s3 =	sadd.s32 s3, s9;
	s6 =	sadd.s32 @!p0 $0x88, s6;
	s7 =	simm.s32 @p2 $0x1082  }
0x22: {  	[simem:s7], [sflag:s8] =	dma.local @!p0 [hbm:s6], $0xF7A  }
0x23: {  	s9 =	sor.u32 $0xD0000000, s2;
	s6 =	simm.s32 $0x108;
	_ =	swait.ge @!p0 [sflag:s8], $0x0  }
0x24: {  	s3 =	sadd.s32 $0x88, s3;
	s6 =	simm.s32 @!p1 $0x1082;
	[sflag:s4] =	ssyncset.s32 $0xFFFFF086  }
0x25: {  	[simem:s6], [sflag:s4] =	dma.local [hbm:s3], $0xF7A  }
0x26: {  	[smem:$0x3F97] =	sst s1;
	(tag) =	ssettag s2;
	_ =	strace s9  }
0x27: {  	s1 =	sld [smem:$0x3FA7]  }
0x28: {  	s2 =	sld [smem:$0x3FA8]  }
0x29: {  	s4 =	sld [smem:$0x3FAA]  }
0x2a: {  	p0 =	seq.s32 s5, $0x0;
	s5 =	sld [smem:$0x3FAB]  }
0x2b: {  	s6 =	sld [smem:$0x3FAC]  }
0x2c: {  	s7 =	sld [smem:$0x3FAD]  }
0x2d: {  	s3 =	simm.s32 $0x108;
	s8 =	sld [smem:$0x3FAE]  }
0x2e: {  	s3 =	simm.s32 @!p0 $0x1082;
	s9 =	sld [smem:$0x3FAF]  }
0x2f: {  	lr =	sadd.s32 s0, s3;
	s0 =	sld [smem:$0x3FA6]  }
0x30: {  	s3 =	sld [smem:$0x3FA9]  }
0x31: {  	[smem:$0x3FB2] =	sst s10  }
0x32: {  	s10 =	sld [smem:$0x3FB0];
	_ =	sdelay $0x3  }
0x33: {  	p0 =	seq.s32 s10, $0x1;
	s10 =	sld [smem:$0x3FB2];
	_ =	sdelay $0x3  }
0x34: {  	[smem:$0x3FB2] =	sst s10  }
0x35: {  	s10 =	sld [smem:$0x3FB1];
	_ =	sdelay $0x3  }
0x36: {  	p1 =	seq.s32 s10, $0x1;
	s10 =	sld [smem:$0x3FB2];
	_ =	sdelay $0x3  }
0x37: {  	[smem:$0x3FB2] =	sst s10  }
0x38: {  	s10 =	sld [smem:$0x3FB3]  }
0x39: {  	_ = 	snop;
	(pc) =	sbr.ind lr, $3  }
0x3a: {  	_ = 	snop  }
0x3b: {  	_ = 	snop  }
0x3c: {  	p2 =	seq.s32 s10, $0x1;
	s10 =	sld [smem:$0x3FB2]  }
0x3d: {  	_ =	shalt  }
0x3e: {  	_ =	shalt  }
0x3f: {  	_ =	shalt  }
0x40: {  	_ =	shalt  }
0x41: {  	_ =	shalt  }
0x42: {  	_ =	shalt  }
0x43: {  	_ =	shalt  }
0x44: {  	_ =	shalt  }
0x45: {  	_ =	shalt  }
0x46: {  	_ =	shalt  }
0x47: {  	_ =	shalt  }
0x48: {  	_ =	shalt  }
0x49: {  	_ =	shalt  }
0x4a: {  	_ =	shalt  }
0x4b: {  	_ =	shalt  }
0x4c: {  	_ =	shalt  }
0x4d: {  	_ =	shalt  }
0x4e: {  	_ =	shalt  }
0x4f: {  	_ =	shalt  }
0x50: {  	_ =	shalt  }
0x51: {  	_ =	shalt  }
0x52: {  	_ =	shalt  }
0x53: {  	_ =	shalt  }
0x54: {  	_ =	shalt  }
0x55: {  	_ =	shalt  }
0x56: {  	_ =	shalt  }
0x57: {  	_ =	shalt  }
0x58: {  	_ =	shalt  }
0x59: {  	_ =	shalt  }
0x5a: {  	_ =	shalt  }
0x5b: {  	_ =	shalt  }
0x5c: {  	_ =	shalt  }
0x5d: {  	_ =	shalt  }
0x5e: {  	_ =	shalt  }
0x5f: {  	_ =	shalt  }
0x60: {  	_ =	shalt  }
0x61: {  	_ =	shalt  }
0x62: {  	_ =	shalt  }
0x63: {  	_ =	shalt  }
0x64: {  	_ =	shalt  }
0x65: {  	_ =	shalt  }
0x66: {  	_ =	shalt  }
0x67: {  	_ =	shalt  }
0x68: {  	_ =	shalt  }
0x69: {  	_ =	shalt  }
0x6a: {  	_ =	shalt  }
0x6b: {  	_ =	shalt  }
0x6c: {  	_ =	shalt  }
0x6d: {  	_ =	shalt  }
0x6e: {  	_ =	shalt  }
0x6f: {  	_ =	shalt  }
0x70: {  	_ =	shalt  }
0x71: {  	_ =	shalt  }
0x72: {  	_ =	shalt  }
0x73: {  	_ =	shalt  }
0x74: {  	_ =	shalt  }
0x75: {  	_ =	shalt  }
0x76: {  	_ =	shalt  }
0x77: {  	_ =	shalt  }
0x78: {  	_ =	shalt  }
0x79: {  	_ =	shalt  }
0x7a: {  	_ =	shalt  }
0x7b: {  	_ =	shalt  }
0x7c: {  	_ =	shalt  }
0x7d: {  	_ =	shalt  }
0x7e: {  	_ =	shalt  }
0x7f: {  	_ =	shalt  }
0x80: {  	_ =	shalt  }
0x81: {  	_ =	shalt  }
0x82: {  	_ =	shalt  }
0x83: {  	_ =	shalt  }
0x84: {  	_ =	shalt  }
0x85: {  	_ =	shalt  }
0x86: {  	_ =	shalt  }
0x87: {  	_ =	shalt  }
.Lfunc_end0:
.L_simem_size_0:
called_computation.1_lowered:
.L_overlay_start_0:
0x88: {  	s2 =	sld [smem:$0x3FD9]  }
0x89: {  	s3 =	sld [smem:$0x3FFE];
	_ =	sdelay $0x1  }
0x8a: {  	s1 =	srdreg.scid  }
0x8b: {  	s0 =	sand.u32 $0x1, s1  }
0x8c: {  	s17 =	sshll.u32 s0, $0xA;
	s2 =	sadd.s32 s3, s2  }
0x8d: {  	s2 =	sadd.s32 s2, s17  }
0x8e: {  	[smem:$0x3FBE] =	sst s2  }
0x8f: {  	_ = 	snop  }
0x90: {  	s2 =	sld [smem:$0x3FD0];
	(tm) =	ssettm $0x1  }
0x91: {  	s18 =	sld [smem:$0x3FFB];
	_ =	sdelay $0x3  }
0x92: {  	_ =	strace s18  }
0x93: {  	s3 =	sld [smem:$0x3FFC];
	_ =	sdelay $0x3  }
0x94: {  	_ =	strace s3  }
0x95: {  	s3 =	sld [smem:$0x3FFD];
	_ =	sdelay $0x3  }
0x96: {  	_ =	strace s3  }
0x97: {  	_ =	strace $0x8FFFFFFF  }
0x98: {  	s19 =	sld [smem:$0x3FDB];
	_ =	sdelay $0x1  }
0x99: {  	s4 =	simm.s32 $_scs_section_size  }
0x9a: {  	s5 =	simm.s32 $_size__tile_overlayer_lowered;
	s6 =	simm.s32 $_tile_overlayer_lowered  }
0x9b: {  	s22 =	simm.s32 $0x1BFF;
	s21 =	sshll.u32 s6, $0x1;
	s3 =	sadd.s32 s4, s19  }
0x9c: {  	s7 =	simm.s32 $0x0;
	s20 =	sshll.u32 s5, $0x1;
	s5 =	sadd.s32 s21, s3  }
0x9d: {  	[timem:s7], [sflag:s22] =	dma.local [hbm:s5], s20  }
0x9e: {  	_ =	swait.ge [sflag:s22], s20  }
0x9f: {  	s4 =	ssub.s32 $0x0, s20;
	[sflag:s22] =	ssyncset.done $0x0  }
0xa0: {  	[sflag:s22] =	ssyncadd.s32 s4;
	_ =	sdelay $0x1  }
0xa1: {  	s23 =	simm.s32 $0x1B8B  }
0xa2: {  	_ =	swait.ge [sflag:s23], $0x1  }
0xa3: {  	[sflag:s23] =	ssyncset.done $0x0  }
0xa4: {  	s25 =	simm.s32 $0x1B8E;
	s24 =	sld [smem:$0x3FFE];
	[sflag:s23] =	ssyncadd.s32 $0xFFFFFFFF  }
0xa5: {  	s26 =	simm.s32 $execute0_lowered;
	[smem:$0x3FD2] =	sst s25  }
0xa6: {  	s5 =	sshll.u32 s26, $0x1;
	_ =	strace $0x80000046;
	[dreg:$0x1] =	wrdreg $0xFFFFFFFF  }
0xa7: {  	s28 =	simm.s32 $_size_execute0_lowered;
	s3 =	sadd.s32 s3, s5;
	[dreg:$0x0] =	wrdreg $0x0  }
0xa8: {  	s5 =	sshll.u32 s28, $0x1;
	[dreg:$0x2] =	wrdreg s3  }
0xa9: {  	[dreg:$0x3] =	wrdreg s5  }
0xaa: {  	[dreg:$0x4] =	wrdreg $0xC0  }
0xab: {  	_ =	task [dreg:s7], $0x5FFFF  }
0xac: {  	[dreg:$0x1] =	wrdreg $0xFFFFFFFF  }
0xad: {  	[dreg:$0x0] =	wrdreg $0x60  }
0xae: {  	[dreg:$0x2] =	wrdreg s2  }
0xaf: {  	[dreg:$0x3] =	wrdreg s24  }
0xb0: {  	[dreg:$0x4] =	wrdreg $0x9  }
0xb1: {  	_ =	task.clear_ibuf [dreg:s7], $0x5FFFF;
	_ =	strace $0x90000046  }
0xb2: {  	s29 =	simm.s32 $0x9;
	_ =	strace $0x80000048  }
0xb3: {  	_ =	swait.ge [sflag:s29], $0x1  }
0xb4: {  	[sflag:s29] =	ssyncadd.s32 $0xFFFFFFFF  }
0xb5: {  	_ =	strace $0x90000048  }
0xb6: {  	_ =	sfence  }
0xb7: {  	s30 =	sld [smem:$0x0];
	_ =	sdelay $0x2  }
0xb8: {  	s31 =	sshll.u32 s1, $0xD;
	s1 =	sshrl.u32 s1, $0x2  }
0xb9: {  	s3 =	sand.u32 $0x4000, s31;
	s1 =	sadd.s32 s1, s30  }
0xba: {  	s0 =	sor.u32 s3, s0;
	s1 =	sshll.u32 s1, $0x11  }
0xbb: {  	s0 =	sor.u32 s1, s0  }
0xbc: {  	s0 =	sadd.s32 $0x8F2B, s0  }
0xbd: {  	[sflag:s0] =	ssyncadd.remote.s32 $0x1  }
0xbe: {  	_ =	sfence.sel $0xFFFF  }
0xbf: {  	[dreg:$0x0] =	wrdreg $0xFFFFFFFF;
	(pc) =	sbr.abs _section_cstart, $3  }
0xc0: {  	[dreg:$0x1] =	wrdreg $0xFFFFFFFF  }
0xc1: {  	_ =	task.clear_ibuf [dreg:s7], $0x2FFFF;
	_ =	strace $0x9FFFFFFF  }
0xc2: {  	(tm) =	ssettm $0x7FFFFFFF  }
0xc3: {  	_ =	shalt  }
tec
execute0_lowered:
.L_overlay_start_1:
0x0: {  	(tag) =	ssettag $0x1  }
0x1: {  	s1 =	rddreg [dreg:$0x0]  }
0x2: {  	s0 =	rddreg [dreg:$0x1]  }
0x3: {  	s24 =	simm.s32 $0x0;
	s2 =	srdreg.scid;
	s8 =	stileid.u32  }
0x4: {  	s10 =	simm.s32 $0x80;
	s11 =	simm.s32 $0x400;
	s12 =	simm.s32 $0x2  }
0x5: {  	s9 =	simm.s32 $0x9300;
	s13 =	simm.s32 $0xA300;
	s14 =	simm.s32 $0xAB00  }
0x6: {  	s15 =	simm.s32 $0xB300;
	s16 =	simm.s32 $0xBB00;
	s17 =	simm.s32 $0xC300  }
0x7: {  	s18 =	simm.s32 $0xCB00;
	s19 =	simm.s32 $0x1;
	s20 =	simm.s32 $0xD0  }
0x8: {  	s21 =	simm.s32 $0xD400;
	s22 =	simm.s32 $0xD300;
	s23 =	simm.s32 $0xD500  }
0x9: {  	[smem:$0x7FF] =	sst s24;
	s2 =	sand.u32 $0x1, s2;
	s4 =	sadd.s32 $0x1000, s0  }
0xa: {  	s5 =	sadd.s32 $0x18400, s0;
	s6 =	sadd.s32 $0x9000, s0;
	s3 =	ssub.s32 $0x2, s2  }
0xb: {  	s8 =	sshll.u32 s8, $0x6;
	s2 =	sshll.u32 s2, $0x5;
	s7 =	sshrl.u32 s3, $0x1  }
0xc: {  	v2 =	vlaneseq.u32;
	_ =	strace $0x80000047;
	s8 =	sor.u32 s2, s8;
	s3 =	ssub.s32 s3, s7  }
0xd: {  	vm0 =	vmmov $0xffff;
	vm1 =	vcmask $0x3F3C;
	v1 =	vshrl.u32 v2, $0x3;
	s2 =	simm.s32 $0x9B00;
	s7 =	sadd.s32 $0x4B4200, s0;
	s31 =	smax.u32 s3, $0x1  }
0xe: {  	v0 =	vand.u32 $0x7, v2;
	v2 =	vor.u32 $0x8, v2;
	v1 =	vmul.u32 $0x8, v1;
	s0 =	simm.s32 $0x8300;
	s3 =	simm.s32 $0x8B00;
	[dreg:$0x4] =	wrdreg s31  }
.LBB2_1:
0xf: {  	[dreg:$0x3] =	wrdreg s24;
	s24 =	simm.s32 $0x0  }
.LBB2_2:
0x10: {  	s26 =	sadd.s32 s8, s24  }
0x11: {  	s28 =	sshll.u32 s24, $0x4;
	s25 =	sshll.u32 s26, $0x5  }
0x12: {  	s28 =	sand.u32 $0x70, s28;
	s25 =	sand.u32 $0x7F00, s25  }
0x13: {  	s28 =	sor.u32 s28, s25  }
0x14: {  	s25 =	simm.s32 $0x0;
	s29 =	sadd.s32 s4, s28  }
0x15: {  	[tilespmem:s25], [sflag:$0x2] =	stream.strided.gather [hbm4b:s29+s10], $0x100, s11, s10, $0x38;
	[tilespmem:$0xD600] =	vst v63  }
0x16: {  	_ =	swait.ge [sflag:s12], $0x100  }
0x17: {  	[sflag:s12] =	ssyncset.done $0x0  }
0x18: {  	s30 =	simm.s32 $0x100;
	s29 =	sadd.s32 s5, s28;
	[sflag:s12] =	ssyncadd.s32 $0xFFFFFF00  }
0x19: {  	[tilespmem:s30], [sflag:$0x2] =	stream.strided.gather [hbm4b:s29+s10], $0x100, s11, s10, $0x38;
	[tilespmem:$0xD600] =	vst v63  }
0x1a: {  	_ =	swait.ge [sflag:s12], $0x100  }
0x1b: {  	[sflag:s12] =	ssyncset.done $0x0  }
0x1c: {  	s28 =	sadd.s32 s6, s28;
	s29 =	simm.s32 $0x200;
	[sflag:s12] =	ssyncadd.s32 $0xFFFFFF00  }
0x1d: {  	[tilespmem:s29], [sflag:$0x2] =	stream.strided.gather [hbm4b:s28+s10], $0x100, s11, s10, $0x38;
	[tilespmem:$0xD600] =	vst v63  }
0x1e: {  	_ =	swait.ge [sflag:s12], $0x100  }
0x1f: {  	[sflag:s12] =	ssyncset.done $0x0  }
0x20: {  	[sflag:s12] =	ssyncadd.s32 $0xFFFFFF00  }
0x21: {  	v3 =	vld [tilespmem:$0x0];
	_ =	sdelay $0x4  }
0x22: {  	v4 =	vshll.u32 v3, $0x1  }
0x23: {  	v3 =	vand.u32 $0x7, v3;
	v4 =	vand.u32 $0xFFFFFFF0, v4  }
0x24: {  	v3 =	vor.u32 v3, v4  }
0x25: {  	v4 =	vperm.xlane v3, v0;
	_ =	sdelay $0x1  }
0x26: {  	v3 =	vperm.xlane v3, v2;
	v4 =	vadd.s32 v1, v4;
	_ =	sdelay $0x1  }
0x27: {  	v3 =	vadd.s32 v1, v3;
	_ =	sdelay $0x1  }
0x28: {  	s28 =	simm.s32 $0x300  }
0x29: {  	[tilespmem:s28], [sflag:$0x1] =	stream.indirect_vreg.gather [hbm4b:s7+s25], $0x80, v4, vm0, $0xb8;
	[tilespmem:$0xD600] =	vst v63  }
0x2a: {  	s28 =	simm.s32 $0xB00  }
0x2b: {  	[tilespmem:s28], [sflag:$0x1] =	stream.indirect_vreg.gather [hbm4b:s7+s25], $0x80, v3, vm0, $0xb8;
	[tilespmem:$0xD600] =	vst v63  }
0x2c: {  	v3 =	vld [tilespmem:$0x10];
	_ =	sdelay $0x4  }
0x2d: {  	v4 =	vshll.u32 v3, $0x1  }
0x2e: {  	v3 =	vand.u32 $0x7, v3;
	v4 =	vand.u32 $0xFFFFFFF0, v4  }
0x2f: {  	v3 =	vor.u32 v3, v4  }
0x30: {  	v4 =	vperm.xlane v3, v0;
	_ =	sdelay $0x1  }
0x31: {  	v3 =	vperm.xlane v3, v2;
	v4 =	vadd.s32 v1, v4;
	_ =	sdelay $0x1  }
0x32: {  	v3 =	vadd.s32 v1, v3;
	_ =	sdelay $0x1  }
0x33: {  	s28 =	simm.s32 $0x1300  }
0x34: {  	[tilespmem:s28], [sflag:$0x1] =	stream.indirect_vreg.gather [hbm4b:s7+s25], $0x80, v4, vm0, $0xb8;
	[tilespmem:$0xD600] =	vst v63  }
0x35: {  	s28 =	simm.s32 $0x1B00  }
0x36: {  	[tilespmem:s28], [sflag:$0x1] =	stream.indirect_vreg.gather [hbm4b:s7+s25], $0x80, v3, vm0, $0xb8;
	[tilespmem:$0xD600] =	vst v63  }
0x37: {  	v3 =	vld [tilespmem:$0x20];
	_ =	sdelay $0x4  }
0x38: {  	v4 =	vshll.u32 v3, $0x1  }
0x39: {  	v3 =	vand.u32 $0x7, v3;
	v4 =	vand.u32 $0xFFFFFFF0, v4  }
0x3a: {  	v3 =	vor.u32 v3, v4  }
0x3b: {  	v4 =	vperm.xlane v3, v0;
	_ =	sdelay $0x1  }
0x3c: {  	v3 =	vperm.xlane v3, v2;
	v4 =	vadd.s32 v1, v4;
	_ =	sdelay $0x1  }
0x3d: {  	v3 =	vadd.s32 v1, v3;
	_ =	sdelay $0x1  }
0x3e: {  	s28 =	simm.s32 $0x2300  }
0x3f: {  	[tilespmem:s28], [sflag:$0x1] =	stream.indirect_vreg.gather [hbm4b:s7+s25], $0x80, v4, vm0, $0xb8;
	[tilespmem:$0xD600] =	vst v63  }
0x40: {  	s28 =	simm.s32 $0x2B00  }
0x41: {  	[tilespmem:s28], [sflag:$0x1] =	stream.indirect_vreg.gather [hbm4b:s7+s25], $0x80, v3, vm0, $0xb8;
	[tilespmem:$0xD600] =	vst v63  }
0x42: {  	v3 =	vld [tilespmem:$0x30];
	_ =	sdelay $0x4  }
0x43: {  	v4 =	vshll.u32 v3, $0x1  }
0x44: {  	v3 =	vand.u32 $0x7, v3;
	v4 =	vand.u32 $0xFFFFFFF0, v4  }
0x45: {  	v3 =	vor.u32 v3, v4  }
0x46: {  	v4 =	vperm.xlane v3, v0;
	_ =	sdelay $0x1  }
0x47: {  	v3 =	vperm.xlane v3, v2;
	v4 =	vadd.s32 v1, v4;
	_ =	sdelay $0x1  }
0x48: {  	v3 =	vadd.s32 v1, v3;
	_ =	sdelay $0x1  }
0x49: {  	s28 =	simm.s32 $0x3300  }
0x4a: {  	[tilespmem:s28], [sflag:$0x1] =	stream.indirect_vreg.gather [hbm4b:s7+s25], $0x80, v4, vm0, $0xb8;
	[tilespmem:$0xD600] =	vst v63  }
0x4b: {  	s28 =	simm.s32 $0x3B00  }
0x4c: {  	[tilespmem:s28], [sflag:$0x1] =	stream.indirect_vreg.gather [hbm4b:s7+s25], $0x80, v3, vm0, $0xb8;
	[tilespmem:$0xD600] =	vst v63  }
0x4d: {  	v3 =	vld [tilespmem:$0x40];
	_ =	sdelay $0x4  }
0x4e: {  	v4 =	vshll.u32 v3, $0x1  }
0x4f: {  	v3 =	vand.u32 $0x7, v3;
	v4 =	vand.u32 $0xFFFFFFF0, v4  }
0x50: {  	v3 =	vor.u32 v3, v4  }
0x51: {  	v4 =	vperm.xlane v3, v0;
	_ =	sdelay $0x1  }
0x52: {  	v3 =	vperm.xlane v3, v2;
	v4 =	vadd.s32 v1, v4;
	_ =	sdelay $0x1  }
0x53: {  	v3 =	vadd.s32 v1, v3;
	_ =	sdelay $0x1  }
0x54: {  	s28 =	simm.s32 $0x4300  }
0x55: {  	[tilespmem:s28], [sflag:$0x1] =	stream.indirect_vreg.gather [hbm4b:s7+s25], $0x80, v4, vm0, $0xb8;
	[tilespmem:$0xD600] =	vst v63  }
0x56: {  	s28 =	simm.s32 $0x4B00  }
0x57: {  	[tilespmem:s28], [sflag:$0x1] =	stream.indirect_vreg.gather [hbm4b:s7+s25], $0x80, v3, vm0, $0xb8;
	[tilespmem:$0xD600] =	vst v63  }
0x58: {  	v3 =	vld [tilespmem:$0x50];
	_ =	sdelay $0x4  }
0x59: {  	v4 =	vshll.u32 v3, $0x1  }
0x5a: {  	v3 =	vand.u32 $0x7, v3;
	v4 =	vand.u32 $0xFFFFFFF0, v4  }
0x5b: {  	v3 =	vor.u32 v3, v4  }
0x5c: {  	v4 =	vperm.xlane v3, v0;
	_ =	sdelay $0x1  }
0x5d: {  	v3 =	vperm.xlane v3, v2;
	v4 =	vadd.s32 v1, v4;
	_ =	sdelay $0x1  }
0x5e: {  	v3 =	vadd.s32 v1, v3;
	_ =	sdelay $0x1  }
0x5f: {  	s28 =	simm.s32 $0x5300  }
0x60: {  	[tilespmem:s28], [sflag:$0x1] =	stream.indirect_vreg.gather [hbm4b:s7+s25], $0x80, v4, vm0, $0xb8;
	[tilespmem:$0xD600] =	vst v63  }
0x61: {  	s28 =	simm.s32 $0x5B00  }
0x62: {  	[tilespmem:s28], [sflag:$0x1] =	stream.indirect_vreg.gather [hbm4b:s7+s25], $0x80, v3, vm0, $0xb8;
	[tilespmem:$0xD600] =	vst v63  }
0x63: {  	v3 =	vld [tilespmem:$0x60];
	_ =	sdelay $0x4  }
0x64: {  	v4 =	vshll.u32 v3, $0x1  }
0x65: {  	v3 =	vand.u32 $0x7, v3;
	v4 =	vand.u32 $0xFFFFFFF0, v4  }
0x66: {  	v3 =	vor.u32 v3, v4  }
0x67: {  	v4 =	vperm.xlane v3, v0;
	_ =	sdelay $0x1  }
0x68: {  	v3 =	vperm.xlane v3, v2;
	v4 =	vadd.s32 v1, v4;
	_ =	sdelay $0x1  }
0x69: {  	v3 =	vadd.s32 v1, v3;
	_ =	sdelay $0x1  }
0x6a: {  	s28 =	simm.s32 $0x6300  }
0x6b: {  	[tilespmem:s28], [sflag:$0x1] =	stream.indirect_vreg.gather [hbm4b:s7+s25], $0x80, v4, vm0, $0xb8;
	[tilespmem:$0xD600] =	vst v63  }
0x6c: {  	s28 =	simm.s32 $0x6B00  }
0x6d: {  	[tilespmem:s28], [sflag:$0x1] =	stream.indirect_vreg.gather [hbm4b:s7+s25], $0x80, v3, vm0, $0xb8;
	[tilespmem:$0xD600] =	vst v63  }
0x6e: {  	v3 =	vld [tilespmem:$0x70];
	_ =	sdelay $0x4  }
0x6f: {  	v4 =	vshll.u32 v3, $0x1  }
0x70: {  	v3 =	vand.u32 $0x7, v3;
	v4 =	vand.u32 $0xFFFFFFF0, v4  }
0x71: {  	v3 =	vor.u32 v3, v4  }
0x72: {  	v4 =	vperm.xlane v3, v0;
	_ =	sdelay $0x1  }
0x73: {  	v3 =	vperm.xlane v3, v2;
	v4 =	vadd.s32 v1, v4;
	_ =	sdelay $0x1  }
0x74: {  	v3 =	vadd.s32 v1, v3;
	_ =	sdelay $0x1  }
0x75: {  	s28 =	simm.s32 $0x7300  }
0x76: {  	[tilespmem:s28], [sflag:$0x1] =	stream.indirect_vreg.gather [hbm4b:s7+s25], $0x80, v4, vm0, $0xb8;
	[tilespmem:$0xD600] =	vst v63  }
0x77: {  	s28 =	simm.s32 $0x7B00  }
0x78: {  	[tilespmem:s28], [sflag:$0x1] =	stream.indirect_vreg.gather [hbm4b:s7+s25], $0x80, v3, vm0, $0xb8;
	[tilespmem:$0xD600] =	vst v63  }
0x79: {  	v3 =	vld [tilespmem:$0x80];
	_ =	sdelay $0x4  }
0x7a: {  	v4 =	vshll.u32 v3, $0x1  }
0x7b: {  	v3 =	vand.u32 $0x7, v3;
	v4 =	vand.u32 $0xFFFFFFF0, v4  }
0x7c: {  	v3 =	vor.u32 v3, v4  }
0x7d: {  	v4 =	vperm.xlane v3, v0;
	_ =	sdelay $0x1  }
0x7e: {  	v3 =	vperm.xlane v3, v2;
	v4 =	vadd.s32 v1, v4;
	_ =	sdelay $0x1  }
0x7f: {  	v3 =	vadd.s32 v1, v3;
	_ =	sdelay $0x2  }
0x80: {  	[tilespmem:s0], [sflag:$0x1] =	stream.indirect_vreg.gather [hbm4b:s7+s25], $0x80, v4, vm0, $0xb8;
	[tilespmem:$0xD600] =	vst v63  }
0x81: {  	_ = 	snop  }
0x82: {  	[tilespmem:s3], [sflag:$0x1] =	stream.indirect_vreg.gather [hbm4b:s7+s25], $0x80, v3, vm0, $0xb8;
	[tilespmem:$0xD600] =	vst v63  }
0x83: {  	v3 =	vld [tilespmem:$0x90];
	_ =	sdelay $0x4  }
0x84: {  	v4 =	vshll.u32 v3, $0x1  }
0x85: {  	v3 =	vand.u32 $0x7, v3;
	v4 =	vand.u32 $0xFFFFFFF0, v4  }
0x86: {  	v3 =	vor.u32 v3, v4  }
0x87: {  	v4 =	vperm.xlane v3, v0;
	_ =	sdelay $0x1  }
0x88: {  	v3 =	vperm.xlane v3, v2;
	v4 =	vadd.s32 v1, v4;
	_ =	sdelay $0x1  }
0x89: {  	v3 =	vadd.s32 v1, v3;
	_ =	sdelay $0x2  }
0x8a: {  	[tilespmem:s9], [sflag:$0x1] =	stream.indirect_vreg.gather [hbm4b:s7+s25], $0x80, v4, vm0, $0xb8;
	[tilespmem:$0xD600] =	vst v63  }
0x8b: {  	_ = 	snop  }
0x8c: {  	[tilespmem:s2], [sflag:$0x1] =	stream.indirect_vreg.gather [hbm4b:s7+s25], $0x80, v3, vm0, $0xb8;
	[tilespmem:$0xD600] =	vst v63  }
0x8d: {  	v3 =	vld [tilespmem:$0xA0];
	_ =	sdelay $0x4  }
0x8e: {  	v4 =	vshll.u32 v3, $0x1  }
0x8f: {  	v3 =	vand.u32 $0x7, v3;
	v4 =	vand.u32 $0xFFFFFFF0, v4  }
0x90: {  	v3 =	vor.u32 v3, v4  }
0x91: {  	v4 =	vperm.xlane v3, v0;
	_ =	sdelay $0x1  }
0x92: {  	v3 =	vperm.xlane v3, v2;
	v4 =	vadd.s32 v1, v4;
	_ =	sdelay $0x1  }
0x93: {  	v3 =	vadd.s32 v1, v3;
	_ =	sdelay $0x2  }
0x94: {  	[tilespmem:s13], [sflag:$0x1] =	stream.indirect_vreg.gather [hbm4b:s7+s25], $0x80, v4, vm0, $0xb8;
	[tilespmem:$0xD600] =	vst v63  }
0x95: {  	_ = 	snop  }
0x96: {  	[tilespmem:s14], [sflag:$0x1] =	stream.indirect_vreg.gather [hbm4b:s7+s25], $0x80, v3, vm0, $0xb8;
	[tilespmem:$0xD600] =	vst v63  }
0x97: {  	v3 =	vld [tilespmem:$0xB0];
	_ =	sdelay $0x4  }
0x98: {  	v4 =	vshll.u32 v3, $0x1  }
0x99: {  	v3 =	vand.u32 $0x7, v3;
	v4 =	vand.u32 $0xFFFFFFF0, v4  }
0x9a: {  	v3 =	vor.u32 v3, v4  }
0x9b: {  	v4 =	vperm.xlane v3, v0;
	_ =	sdelay $0x1  }
0x9c: {  	v3 =	vperm.xlane v3, v2;
	v4 =	vadd.s32 v1, v4;
	_ =	sdelay $0x1  }
0x9d: {  	v3 =	vadd.s32 v1, v3;
	_ =	sdelay $0x2  }
0x9e: {  	[tilespmem:s15], [sflag:$0x1] =	stream.indirect_vreg.gather [hbm4b:s7+s25], $0x80, v4, vm0, $0xb8;
	[tilespmem:$0xD600] =	vst v63  }
0x9f: {  	_ = 	snop  }
0xa0: {  	[tilespmem:s16], [sflag:$0x1] =	stream.indirect_vreg.gather [hbm4b:s7+s25], $0x80, v3, vm0, $0xb8;
	[tilespmem:$0xD600] =	vst v63  }
0xa1: {  	v3 =	vld [tilespmem:$0xC0];
	_ =	sdelay $0x4  }
0xa2: {  	v4 =	vshll.u32 v3, $0x1  }
0xa3: {  	v3 =	vand.u32 $0x7, v3;
	v4 =	vand.u32 $0xFFFFFFF0, v4  }
0xa4: {  	v3 =	vor.u32 v3, v4  }
0xa5: {  	v4 =	vperm.xlane v3, v0;
	_ =	sdelay $0x1  }
0xa6: {  	v3 =	vperm.xlane v3, v2;
	v4 =	vadd.s32 v1, v4;
	_ =	sdelay $0x1  }
0xa7: {  	v3 =	vadd.s32 v1, v3;
	_ =	sdelay $0x2  }
0xa8: {  	[tilespmem:s17], [sflag:$0x1] =	stream.indirect_vreg.gather [hbm4b:s7+s25], $0x80, v4, vm0, $0xb8;
	[tilespmem:$0xD600] =	vst v63  }
0xa9: {  	_ = 	snop  }
0xaa: {  	[tilespmem:s18], [sflag:$0x1] =	stream.indirect_vreg.gather [hbm4b:s7+s25], $0x80, v3, vm0, $0xb8;
	[tilespmem:$0xD600] =	vst v63  }
0xab: {  	_ =	swait.ge [sflag:s19], $0xD000  }
0xac: {  	[sflag:s19] =	ssyncset.done $0x0  }
0xad: {  	[sflag:s19] =	ssyncadd.s32 $0xFFFF3000  }
0xae: {  	v3 =	vld [tilespmem:$0x0]  }
0xaf: {  	v4 =	vld [tilespmem:$0x10]  }
0xb0: {  	v5 =	vld [tilespmem:$0x20]  }
0xb1: {  	s26 =	smul.u32 $0x186A0, s26;
	v6 =	vld [tilespmem:$0x30]  }
0xb2: {  	v7 =	vld [tilespmem:$0x40]  }
0xb3: {  	v8 =	vld [tilespmem:$0x50];
	v3 =	vadd.s32 s26, v3  }
0xb4: {  	[tilespmem:$0xD400] =	vst v3;
	v3 =	vadd.s32 s26, v4;
	v4 =	vld [tilespmem:$0x60]  }
0xb5: {  	[tilespmem:$0xD410] =	vst v3;
	v3 =	vadd.s32 s26, v5;
	v5 =	vld [tilespmem:$0x70]  }
0xb6: {  	[tilespmem:$0xD420] =	vst v3;
	v3 =	vadd.s32 s26, v6;
	v6 =	vld [tilespmem:$0x80]  }
0xb7: {  	[tilespmem:$0xD430] =	vst v3;
	v3 =	vadd.s32 s26, v7;
	v7 =	vld [tilespmem:$0x90]  }
0xb8: {  	v63 =	vld [tilespmem:$0xA0];
	[tilespmem:$0xD440] =	vst v3;
	v3 =	vadd.s32 s26, v8  }
0xb9: {  	[tilespmem:$0xD450] =	vst v3;
	v3 =	vadd.s32 s26, v4;
	v4 =	vld [tilespmem:$0xB0]  }
0xba: {  	[tilespmem:$0xD460] =	vst v3;
	v3 =	vadd.s32 s26, v5;
	v5 =	vld [tilespmem:$0xC0]  }
0xbb: {  	[tilespmem:$0xD470] =	vst v3;
	v3 =	vadd.s32 s26, v6  }
0xbc: {  	[tilespmem:$0xD480] =	vst v3;
	v3 =	vadd.s32 s26, v7  }
0xbd: {  	[tilespmem:$0xD490] =	vst v3;
	v3 =	vadd.s32 s26, v63  }
0xbe: {  	[tilespmem:$0xD4A0] =	vst v3;
	v3 =	vadd.s32 s26, v4  }
0xbf: {  	[tilespmem:$0xD4B0] =	vst v3;
	v3 =	vadd.s32 s26, v5  }
0xc0: {  	[tilespmem:$0xD4C0] =	vst v3  }
0xc1: {  	[tilespmem:s22], [sflag:$0x1] =	stream.indirect.gather [hbm4b:s1+s20], $0x1, s21, s20, $0xb8;
	[tilespmem:$0xD600] =	vst v63  }
0xc2: {  	_ =	swait.ge [sflag:s19], $0xD0  }
0xc3: {  	[sflag:s19] =	ssyncset.done $0x0  }
0xc4: {  	s31 =	sand.u32 $0xF800, s25;
	s28 =	sand.u32 $0x380, s25;
	[sflag:s19] =	ssyncadd.s32 $0xFFFFFF30  }
0xc5: {  	s26 =	sor.u32 s28, s31;
	v3 =	vld [tilespmem:$0x200]  }
0xc6: {  	s30 =	simm.s32 $0x0;
	s29 =	simm.s32 $0x0;
	s28 =	simm.s32 $0x1;
	v4 =	vld [tilespmem:s26+$0x300]  }
.LBB2_3:
0xc7: {  	p0 =	sne.s32 s28, $0xCF;
	v5 =	vld [tilespmem:s26+$0x310]  }
0xc8: {  	v6 =	vld [tilespmem:$0x210]  }
0xc9: {  	v7 =	vld [tilespmem:s26+$0x320]  }
0xca: {  	v8 =	vld [tilespmem:$0x220]  }
0xcb: {  	v9 =	vld [tilespmem:s26+$0x330]  }
0xcc: {  	v10 =	vld [tilespmem:$0x230]  }
0xcd: {  	v3 =	vmul.f32 v3, v4;
	v4 =	vmul.f32 v6, v5;
	v5 =	vld [tilespmem:s26+$0x340]  }
0xce: {  	v6 =	vld [tilespmem:$0x240]  }
0xcf: {  	v3 =	vadd.f32 v4, v3;
	v4 =	vmul.f32 v8, v7;
	v7 =	vld [tilespmem:s26+$0x350]  }
0xd0: {  	v8 =	vld [tilespmem:$0x250]  }
0xd1: {  	v3 =	vadd.f32 v4, v3;
	v4 =	vmul.f32 v10, v9;
	v9 =	vld [tilespmem:s26+$0x360]  }
0xd2: {  	v10 =	vld [tilespmem:$0x260]  }
0xd3: {  	v3 =	vadd.f32 v4, v3;
	v4 =	vmul.f32 v6, v5;
	v5 =	vld [tilespmem:s26+$0x370]  }
0xd4: {  	v6 =	vld [tilespmem:$0x270]  }
0xd5: {  	v3 =	vadd.f32 v4, v3;
	v4 =	vmul.f32 v8, v7;
	v7 =	vld [tilespmem:s26+$0x700]  }
0xd6: {  	v8 =	vld [tilespmem:$0x280]  }
0xd7: {  	v3 =	vadd.f32 v4, v3;
	v4 =	vmul.f32 v10, v9;
	v9 =	vld [tilespmem:s26+$0x710]  }
0xd8: {  	v10 =	vld [tilespmem:$0x290]  }
0xd9: {  	v3 =	vadd.f32 v4, v3;
	v4 =	vmul.f32 v6, v5;
	v5 =	vld [tilespmem:s26+$0x720]  }
0xda: {  	v6 =	vld [tilespmem:$0x2A0]  }
0xdb: {  	v3 =	vadd.f32 v4, v3;
	v4 =	vmul.f32 v8, v7;
	v7 =	vld [tilespmem:s26+$0x730]  }
0xdc: {  	v8 =	vld [tilespmem:$0x2B0]  }
0xdd: {  	v3 =	vadd.f32 v4, v3;
	v4 =	vmul.f32 v10, v9;
	v9 =	vld [tilespmem:s26+$0x740]  }
0xde: {  	v10 =	vld [tilespmem:$0x2C0]  }
0xdf: {  	v3 =	vadd.f32 v4, v3;
	v4 =	vmul.f32 v6, v5;
	v5 =	vld [tilespmem:s26+$0x750]  }
0xe0: {  	v6 =	vld [tilespmem:$0x2D0]  }
0xe1: {  	v3 =	vadd.f32 v4, v3;
	v4 =	vmul.f32 v8, v7;
	v7 =	vld [tilespmem:s26+$0x760]  }
0xe2: {  	v8 =	vld [tilespmem:$0x2E0]  }
0xe3: {  	v3 =	vadd.f32 v4, v3;
	v4 =	vmul.f32 v10, v9;
	v9 =	vld [tilespmem:s26+$0x770]  }
0xe4: {  	v10 =	vld [tilespmem:$0x2F0]  }
0xe5: {  	v3 =	vadd.f32 v4, v3;
	v4 =	vmul.f32 v6, v5;
	_ =	sdelay $0x1  }
0xe6: {  	v3 =	vadd.f32 v4, v3;
	v4 =	vmul.f32 v8, v7;
	_ =	sdelay $0x1  }
0xe7: {  	v3 =	vadd.f32 v4, v3;
	v4 =	vmul.f32 v10, v9;
	_ =	sdelay $0x1  }
0xe8: {  	v3 =	vadd.f32 v4, v3;
	_ =	sdelay $0x1  }
0xe9: {  	(xrf2) =	vadd.scan.msk.f32 $0xffff, v3;
	_ =	sdelay $0x5  }
0xea: {  	v3 =	vmov s25;
	s25 =	smov.u32 s28;
	_ =	sdelay $0x2  }
.Ltmp0:
0xeb: {  	(pc) =	sbr.rel @p0 .LBB2_3-.Ltmp0, $4  }
0xec: {  	s29 =	sadd.s32 $0x80, s29;
	s30 =	sadd.s32 $0x100, s30;
	v4, _, _ =	vpop (xrf2)  }
0xed: {  	s31 =	sand.u32 $0x380, s29;
	s26 =	sand.u32 $0xF800, s30;
	[tilespmem:v3+s23+$0x0] =	vst.idx.msk vm1, v4  }
0xee: {  	s26 =	sor.u32 s31, s26;
	v3 =	vld [tilespmem:$0x200]  }
0xef: {  	s28 =	sadd.s32 $0x1, s28;
	v4 =	vld [tilespmem:s26+$0x300]  }
0xf0: {  	v5 =	vld [tilespmem:s26+$0x310]  }
0xf1: {  	v6 =	vld [tilespmem:$0x210]  }
0xf2: {  	v7 =	vld [tilespmem:s26+$0x320]  }
0xf3: {  	v8 =	vld [tilespmem:$0x220]  }
0xf4: {  	v9 =	vld [tilespmem:s26+$0x330]  }
0xf5: {  	v10 =	vld [tilespmem:$0x230]  }
0xf6: {  	v42 =	vld [tilespmem:s26+$0x340];
	v3 =	vmul.f32 v3, v4;
	v41 =	vmul.f32 v6, v5  }
0xf7: {  	v43 =	vld [tilespmem:$0x240]  }
0xf8: {  	v45 =	vld [tilespmem:s26+$0x350];
	v44 =	vmul.f32 v8, v7;
	v3 =	vadd.f32 v41, v3  }
0xf9: {  	v46 =	vld [tilespmem:$0x250]  }
0xfa: {  	v48 =	vld [tilespmem:s26+$0x360];
	v47 =	vmul.f32 v10, v9;
	v3 =	vadd.f32 v44, v3  }
0xfb: {  	v49 =	vld [tilespmem:$0x260]  }
0xfc: {  	v51 =	vld [tilespmem:s26+$0x370];
	v50 =	vmul.f32 v43, v42;
	v3 =	vadd.f32 v47, v3  }
0xfd: {  	v52 =	vld [tilespmem:$0x270]  }
0xfe: {  	v54 =	vld [tilespmem:s26+$0x700];
	v53 =	vmul.f32 v46, v45;
	v3 =	vadd.f32 v50, v3  }
0xff: {  	v55 =	vld [tilespmem:$0x280]  }
0x100: {  	v57 =	vld [tilespmem:s26+$0x710];
	v56 =	vmul.f32 v49, v48;
	v3 =	vadd.f32 v53, v3  }
0x101: {  	v58 =	vld [tilespmem:$0x290]  }
0x102: {  	v60 =	vld [tilespmem:s26+$0x720];
	v59 =	vmul.f32 v52, v51;
	v3 =	vadd.f32 v56, v3  }
0x103: {  	v61 =	vld [tilespmem:$0x2A0]  }
0x104: {  	v63 =	vld [tilespmem:s26+$0x730];
	v62 =	vmul.f32 v55, v54;
	v3 =	vadd.f32 v59, v3  }
0x105: {  	v12 =	vld [tilespmem:$0x2B0]  }
0x106: {  	v14 =	vld [tilespmem:s26+$0x740];
	v13 =	vmul.f32 v58, v57;
	v3 =	vadd.f32 v62, v3  }
0x107: {  	v15 =	vld [tilespmem:$0x2C0]  }
0x108: {  	v17 =	vld [tilespmem:s26+$0x750];
	v16 =	vmul.f32 v61, v60;
	v3 =	vadd.f32 v13, v3  }
0x109: {  	v18 =	vld [tilespmem:$0x2D0]  }
0x10a: {  	v20 =	vld [tilespmem:s26+$0x760];
	v19 =	vmul.f32 v12, v63;
	v3 =	vadd.f32 v16, v3  }
0x10b: {  	v21 =	vld [tilespmem:$0x2E0]  }
0x10c: {  	v23 =	vld [tilespmem:s26+$0x770];
	v22 =	vmul.f32 v15, v14;
	v3 =	vadd.f32 v19, v3  }
0x10d: {  	v24 =	vld [tilespmem:$0x2F0]  }
0x10e: {  	v25 =	vmul.f32 v18, v17;
	v3 =	vadd.f32 v22, v3;
	_ =	sdelay $0x1  }
0x10f: {  	v26 =	vmul.f32 v21, v20;
	v3 =	vadd.f32 v25, v3;
	_ =	sdelay $0x1  }
0x110: {  	v27 =	vmul.f32 v24, v23;
	v3 =	vadd.f32 v26, v3;
	_ =	sdelay $0x1  }
0x111: {  	v3 =	vadd.f32 v27, v3;
	_ =	sdelay $0x1  }
0x112: {  	(xrf2) =	vadd.scan.msk.f32 $0xffff, v3;
	_ =	sdelay $0x5  }
0x113: {  	v3 =	vmov s25;
	_ =	sdelay $0x3  }
0x114: {  	v28, _, _ =	vpop (xrf2)  }
0x115: {  	[tilespmem:v3+s23+$0x0] =	vst.idx.msk vm1, v28  }
0x116: {  	v3 =	vld [tilespmem:$0xD500];
	_ =	sdelay $0x4  }
0x117: {  	v3 =	vsub.f32 $0.0e+00, v3;
	_ =	sdelay $0x1  }
0x118: {  	v3 =	vmul.f32 $1.442695020e+00, v3;
	_ =	sdelay $0x1  }
0x119: {  	(erf) = vpow2.f32 v3;
	_ =	sdelay $0x3  }
0x11a: {  	v3 =	vld [tilespmem:$0xD510];
	_ =	sdelay $0x4  }
0x11b: {  	v3 =	vsub.f32 $0.0e+00, v3;
	v29 =	vpop (erf)  }
0x11c: {  	v4 =	vadd.f32 $1.000000000e+00, v29  }
0x11d: {  	v3 =	vmul.f32 $1.442695020e+00, v3  }
0x11e: {  	(erf) = vrcp.f32 v4  }
0x11f: {  	(erf) = vpow2.f32 v3;
	_ =	sdelay $0x3  }
0x120: {  	v3 =	vld [tilespmem:$0xD520];
	_ =	sdelay $0x3  }
0x121: {  	v4 =	vpop (erf)  }
0x122: {  	v3 =	vsub.f32 $0.0e+00, v3;
	v30 =	vpop (erf)  }
0x123: {  	v5 =	vadd.f32 $1.000000000e+00, v30  }
0x124: {  	v3 =	vmul.f32 $1.442695020e+00, v3  }
0x125: {  	(erf) = vrcp.f32 v5  }
0x126: {  	(erf) = vpow2.f32 v3;
	_ =	sdelay $0x3  }
0x127: {  	v3 =	vld [tilespmem:$0xD530];
	_ =	sdelay $0x3  }
0x128: {  	v5 =	vpop (erf)  }
0x129: {  	v3 =	vsub.f32 $0.0e+00, v3;
	v31 =	vpop (erf)  }
0x12a: {  	v6 =	vadd.f32 $1.000000000e+00, v31  }
0x12b: {  	v3 =	vmul.f32 $1.442695020e+00, v3  }
0x12c: {  	(erf) = vrcp.f32 v6  }
0x12d: {  	(erf) = vpow2.f32 v3;
	_ =	sdelay $0x3  }
0x12e: {  	v3 =	vld [tilespmem:$0xD540];
	_ =	sdelay $0x3  }
0x12f: {  	v6 =	vpop (erf)  }
0x130: {  	v3 =	vsub.f32 $0.0e+00, v3;
	v32 =	vpop (erf)  }
0x131: {  	v7 =	vadd.f32 $1.000000000e+00, v32  }
0x132: {  	v3 =	vmul.f32 $1.442695020e+00, v3  }
0x133: {  	(erf) = vrcp.f32 v7  }
0x134: {  	(erf) = vpow2.f32 v3;
	_ =	sdelay $0x3  }
0x135: {  	v3 =	vld [tilespmem:$0xD550];
	_ =	sdelay $0x3  }
0x136: {  	v7 =	vpop (erf)  }
0x137: {  	v3 =	vsub.f32 $0.0e+00, v3;
	v33 =	vpop (erf)  }
0x138: {  	v8 =	vadd.f32 $1.000000000e+00, v33  }
0x139: {  	v3 =	vmul.f32 $1.442695020e+00, v3  }
0x13a: {  	(erf) = vrcp.f32 v8  }
0x13b: {  	(erf) = vpow2.f32 v3;
	_ =	sdelay $0x3  }
0x13c: {  	v3 =	vld [tilespmem:$0xD560];
	_ =	sdelay $0x3  }
0x13d: {  	v8 =	vpop (erf)  }
0x13e: {  	v3 =	vsub.f32 $0.0e+00, v3;
	v34 =	vpop (erf)  }
0x13f: {  	v9 =	vadd.f32 $1.000000000e+00, v34  }
0x140: {  	v3 =	vmul.f32 $1.442695020e+00, v3  }
0x141: {  	(erf) = vrcp.f32 v9  }
0x142: {  	(erf) = vpow2.f32 v3;
	_ =	sdelay $0x3  }
0x143: {  	v3 =	vld [tilespmem:$0xD570];
	_ =	sdelay $0x3  }
0x144: {  	v9 =	vpop (erf)  }
0x145: {  	v3 =	vsub.f32 $0.0e+00, v3;
	v35 =	vpop (erf)  }
0x146: {  	v10 =	vadd.f32 $1.000000000e+00, v35  }
0x147: {  	v3 =	vmul.f32 $1.442695020e+00, v3  }
0x148: {  	(erf) = vrcp.f32 v10  }
0x149: {  	(erf) = vpow2.f32 v3;
	_ =	sdelay $0x3  }
0x14a: {  	v3 =	vld [tilespmem:$0xD580];
	_ =	sdelay $0x3  }
0x14b: {  	v10 =	vpop (erf)  }
0x14c: {  	v3 =	vsub.f32 $0.0e+00, v3;
	v11 =	vpop (erf)  }
0x14d: {  	v11 =	vadd.f32 $1.000000000e+00, v11  }
0x14e: {  	v3 =	vmul.f32 $1.442695020e+00, v3  }
0x14f: {  	(erf) = vrcp.f32 v11  }
0x150: {  	(erf) = vpow2.f32 v3;
	_ =	sdelay $0x3  }
0x151: {  	v3 =	vld [tilespmem:$0xD590];
	_ =	sdelay $0x3  }
0x152: {  	v11 =	vpop (erf)  }
0x153: {  	v3 =	vsub.f32 $0.0e+00, v3;
	v12 =	vpop (erf)  }
0x154: {  	v12 =	vadd.f32 $1.000000000e+00, v12  }
0x155: {  	v3 =	vmul.f32 $1.442695020e+00, v3  }
0x156: {  	(erf) = vrcp.f32 v12  }
0x157: {  	(erf) = vpow2.f32 v3;
	_ =	sdelay $0x3  }
0x158: {  	v3 =	vld [tilespmem:$0xD5A0];
	_ =	sdelay $0x3  }
0x159: {  	v12 =	vpop (erf)  }
0x15a: {  	v3 =	vsub.f32 $0.0e+00, v3;
	v13 =	vpop (erf)  }
0x15b: {  	v13 =	vadd.f32 $1.000000000e+00, v13  }
0x15c: {  	v3 =	vmul.f32 $1.442695020e+00, v3  }
0x15d: {  	(erf) = vrcp.f32 v13  }
0x15e: {  	(erf) = vpow2.f32 v3;
	_ =	sdelay $0x3  }
0x15f: {  	v3 =	vld [tilespmem:$0xD5B0];
	_ =	sdelay $0x3  }
0x160: {  	v13 =	vpop (erf)  }
0x161: {  	v3 =	vsub.f32 $0.0e+00, v3;
	v14 =	vpop (erf)  }
0x162: {  	v14 =	vadd.f32 $1.000000000e+00, v14  }
0x163: {  	v3 =	vmul.f32 $1.442695020e+00, v3  }
0x164: {  	(erf) = vrcp.f32 v14  }
0x165: {  	(erf) = vpow2.f32 v3;
	_ =	sdelay $0x3  }
0x166: {  	v3 =	vld [tilespmem:$0xD5C0];
	_ =	sdelay $0x2  }
0x167: {  	v36 =	vld [tilespmem:$0xD300]  }
0x168: {  	v15 =	vld [tilespmem:$0x100];
	v16 =	vpop (erf)  }
0x169: {  	v17 =	vld [tilespmem:$0xD310];
	v3 =	vsub.f32 $0.0e+00, v3;
	v18 =	vpop (erf)  }
0x16a: {  	v19 =	vld [tilespmem:$0x110];
	v18 =	vadd.f32 $1.000000000e+00, v18  }
0x16b: {  	v20 =	vld [tilespmem:$0xD320];
	v3 =	vmul.f32 $1.442695020e+00, v3  }
0x16c: {  	v21 =	vld [tilespmem:$0x120];
	(erf) = vrcp.f32 v18  }
0x16d: {  	v37 =	vld [tilespmem:$0xD330];
	(erf) = vpow2.f32 v3  }
0x16e: {  	v22 =	vld [tilespmem:$0xD340]  }
0x16f: {  	v23 =	vld [tilespmem:$0x140]  }
0x170: {  	v24 =	vld [tilespmem:$0xD350]  }
0x171: {  	v25 =	vld [tilespmem:$0x150]  }
0x172: {  	v26 =	vld [tilespmem:$0xD360]  }
0x173: {  	v27 =	vld [tilespmem:$0x160]  }
0x174: {  	v38 =	vld [tilespmem:$0xD380]  }
0x175: {  	v3 =	vld [tilespmem:$0x130];
	v28 =	vpop (erf)  }
0x176: {  	v39 =	vld [tilespmem:$0x180];
	v31 =	vpop (erf)  }
0x177: {  	v40 =	vld [tilespmem:$0xD390];
	v4 =	vmul.f32 v4, v15;
	v31 =	vadd.f32 $1.000000000e+00, v31  }
0x178: {  	v41 =	vld [tilespmem:$0x190];
	v5 =	vmul.f32 v5, v19  }
0x179: {  	v30 =	vld [tilespmem:$0x170];
	v4 =	vadd.f32 v4, v36;
	v6 =	vmul.f32 v6, v21;
	(erf) = vrcp.f32 v31  }
0x17a: {  	v44 =	vld [tilespmem:$0xD3A0];
	v5 =	vadd.f32 v5, v17;
	v3 =	vmul.f32 v7, v3  }
0x17b: {  	v29 =	vld [tilespmem:$0xD370];
	[tilespmem:$0xD500] =	vst v4;
	v42 =	vadd.f32 v6, v20;
	v43 =	vmul.f32 v8, v23  }
0x17c: {  	v46 =	vld [tilespmem:$0x1A0];
	[tilespmem:$0xD510] =	vst v5;
	v45 =	vmul.f32 v9, v25;
	v3 =	vadd.f32 v3, v37  }
0x17d: {  	v49 =	vld [tilespmem:$0x1B0];
	[tilespmem:$0xD520] =	vst v42;
	v47 =	vadd.f32 v43, v22;
	v48 =	vmul.f32 v10, v27  }
0x17e: {  	v51 =	vld [tilespmem:$0x1C0];
	v50 =	vmul.f32 v11, v30;
	[tilespmem:$0xD530] =	vst v3;
	v3 =	vadd.f32 v45, v24  }
0x17f: {  	v54 =	vld [tilespmem:$0xD3B0];
	[tilespmem:$0xD540] =	vst v47;
	v52 =	vadd.f32 v48, v26;
	v53 =	vmul.f32 v12, v39  }
0x180: {  	v56 =	vld [tilespmem:$0xD3C0];
	v55 =	vmul.f32 v13, v41;
	[tilespmem:$0xD550] =	vst v3;
	v3 =	vadd.f32 v50, v29  }
0x181: {  	[tilespmem:$0xD560] =	vst v52;
	v57 =	vadd.f32 v53, v38;
	v58 =	vmul.f32 v16, v46  }
0x182: {  	v59 =	vmul.f32 v28, v49;
	[tilespmem:$0xD570] =	vst v3;
	v3 =	vadd.f32 v55, v40;
	v60 =	vpop (erf)  }
0x183: {  	[tilespmem:$0xD580] =	vst v57;
	v61 =	vadd.f32 v58, v44;
	v62 =	vmul.f32 v60, v51  }
0x184: {  	[tilespmem:$0xD590] =	vst v3;
	v3 =	vadd.f32 v59, v54  }
0x185: {  	s24 =	sadd.s32 $0x1, s24;
	[tilespmem:$0xD5A0] =	vst v61;
	v63 =	vadd.f32 v62, v56  }
0x186: {  	p0 =	sne.s32 s24, $0x20;
	[tilespmem:$0xD5B0] =	vst v3  }
.Ltmp1:
0x187: {  	[tilespmem:$0xD5C0] =	vst v63;
	(pc) =	sbr.rel @p0 .LBB2_2-.Ltmp1, $4  }
0x188: {  	[hbm4b:s1+s20] =	stream.indirect.scatter [tilespmem:s23], [sflag:$0x2], $0x1, s21, s20, $0xb8;
	[tilespmem:$0xD600] =	vst v63  }
0x189: {  	_ =	swait.ge [sflag:s12], $0xD0  }
0x18a: {  	[sflag:s12] =	ssyncset.done $0x0  }
0x18b: {  	[sflag:s12] =	ssyncadd.s32 $0xFFFFFF30  }
0x18c: {  	s24 =	rddreg [dreg:$0x3]  }
0x18d: {  	s25 =	rddreg [dreg:$0x4];
	s24 =	sadd.s32 $0x1, s24  }
0x18e: {  	p0 =	sne.s32 s24, s25  }
.Ltmp2:
0x18f: {  	_ = 	snop;
	(pc) =	sbr.rel @p0 .LBB2_1-.Ltmp2, $1  }
0x190: {  	_ =	sdelay $0x3  }
0x191: {  	_ =	sfence.sel $0x180000  }
0x192: {  	[bflag:$0x0] =	sbarrier.arrive $0xFFFF  }
0x193: {  	_ =	strace $0x90000047  }
0x194: {  	s0 =	stileid.u32;
	[bflag:$0x2] =	sbarrier.arrive $0xFFFF  }
0x195: {  	p0 =	sne.s32 s0, $0x0;
	s0 =	rddreg [dreg:$0x2]  }
0x196: {  	s0 =	sadd.s32 @!p0 $0x100000, s0  }
0x197: {  	[sflag:s0] =	ssyncadd.tile.s32 @!p0 $0x1;
	_ =	shalt  }
.Lfunc_end2:
_tile_overlayer_lowered:
.L_overlay_start_2:
0x198: {  	(tag) =	ssettag $0x2  }
0x199: {  	s0 =	rddreg [dreg:$0x0];
	s2 =	stileid.u32  }
0x19a: {  	s1 =	rddreg [dreg:$0x1];
	p0 =	sne.s32 s2, $0x0  }
0x19b: {  	s3 =	rddreg [dreg:$0x2];
	[bflag:$0x3] =	sbarrier.arrive $0xFFFF;
	s2 =	simm.s32 @!p0 $0x1C02  }
0x19c: {  	[timem:s3], [sflag:s2] =	dma.local @!p0 [hbm:s0], s1  }
0x19d: {  	s0 =	simm.s32 @!p0 $0x2  }
0x19e: {  	_ =	swait.ge @!p0 [sflag:s0], s1  }
0x19f: {  	s1 =	ssub.s32 @!p0 $0x0, s1;
	[sflag:s0] =	ssyncset.done @!p0 $0x0  }
0x1a0: {  	[sflag:s0] =	ssyncadd.s32 @!p0 s1  }
0x1a1: {  	[bflag:$0x3] =	sbarrier.arrive $0xFFFF  }
0x1a2: {  	_ =	shalt  }

// kernel: sparse-core-data-format-call.cloned.1.call-start
scs
called_computation_lowered:
.L_overlay_start_0:
0x0: {  	s2 =	sld [smem:$0x3FD9]  }
0x1: {  	s3 =	sld [smem:$0x3FFE];
	_ =	sdelay $0x1  }
0x2: {  	s1 =	srdreg.scid  }
0x3: {  	s0 =	sand.u32 $0x1, s1  }
0x4: {  	s18 =	sshll.u32 s0, $0xA;
	s2 =	sadd.s32 s3, s2  }
0x5: {  	s2 =	sadd.s32 s2, s18  }
0x6: {  	[smem:$0x3FBE] =	sst s2  }
0x7: {  	_ = 	snop  }
0x8: {  	s2 =	sld [smem:$0x3FD0];
	(tm) =	ssettm $0x1  }
0x9: {  	s19 =	sld [smem:$0x3FFB];
	_ =	sdelay $0x3  }
0xa: {  	_ =	strace s19  }
0xb: {  	s3 =	sld [smem:$0x3FFC];
	_ =	sdelay $0x3  }
0xc: {  	_ =	strace s3  }
0xd: {  	s3 =	sld [smem:$0x3FFD];
	_ =	sdelay $0x3  }
0xe: {  	_ =	strace s3  }
0xf: {  	_ =	strace $0x8FFFFFFF  }
0x10: {  	s20 =	sld [smem:$0x3FDB];
	_ =	sdelay $0x1  }
0x11: {  	s4 =	simm.s32 $_scs_section_size  }
0x12: {  	s5 =	simm.s32 $_size__tile_overlayer_lowered;
	s6 =	simm.s32 $_tile_overlayer_lowered  }
0x13: {  	s23 =	simm.s32 $0x1BFF;
	s22 =	sshll.u32 s6, $0x1;
	s3 =	sadd.s32 s4, s20  }
0x14: {  	s7 =	simm.s32 $0x0;
	s21 =	sshll.u32 s5, $0x1;
	s5 =	sadd.s32 s22, s3  }
0x15: {  	[timem:s7], [sflag:s23] =	dma.local [hbm:s5], s21  }
0x16: {  	_ =	swait.ge [sflag:s23], s21  }
0x17: {  	s4 =	ssub.s32 $0x0, s21;
	[sflag:s23] =	ssyncset.done $0x0  }
0x18: {  	[sflag:s23] =	ssyncadd.s32 s4;
	_ =	sdelay $0x1  }
0x19: {  	s24 =	simm.s32 $0x1B8B  }
0x1a: {  	_ =	swait.ge [sflag:s24], $0x1  }
0x1b: {  	[sflag:s24] =	ssyncset.done $0x0  }
0x1c: {  	s26 =	simm.s32 $0x1B8E;
	s25 =	sld [smem:$0x3FFE];
	[sflag:s24] =	ssyncadd.s32 $0xFFFFFFFF  }
0x1d: {  	s27 =	simm.s32 $execute0_lowered;
	[smem:$0x3FD2] =	sst s26  }
0x1e: {  	s5 =	sshll.u32 s27, $0x1;
	_ =	strace $0x80000049;
	[dreg:$0x1] =	wrdreg $0xFFFFFFFF  }
0x1f: {  	s28 =	simm.s32 $_size_execute0_lowered;
	s3 =	sadd.s32 s3, s5;
	[dreg:$0x0] =	wrdreg $0x0  }
0x20: {  	s5 =	sshll.u32 s28, $0x1;
	[dreg:$0x2] =	wrdreg s3  }
0x21: {  	[dreg:$0x3] =	wrdreg s5  }
0x22: {  	[dreg:$0x4] =	wrdreg $0xC0  }
0x23: {  	_ =	task [dreg:s7], $0x5FFFF  }
0x24: {  	[dreg:$0x1] =	wrdreg $0xFFFFFFFF  }
0x25: {  	[dreg:$0x0] =	wrdreg $0x60  }
0x26: {  	[dreg:$0x2] =	wrdreg s25  }
0x27: {  	[dreg:$0x3] =	wrdreg s2  }
0x28: {  	[dreg:$0x4] =	wrdreg $0x9  }
0x29: {  	_ =	task.clear_ibuf [dreg:s7], $0x5FFFF;
	_ =	strace $0x90000049  }
0x2a: {  	s29 =	simm.s32 $0x9;
	_ =	strace $0x8000004B  }
0x2b: {  	_ =	swait.ge [sflag:s29], $0x1  }
0x2c: {  	[sflag:s29] =	ssyncadd.s32 $0xFFFFFFFF  }
0x2d: {  	_ =	strace $0x9000004B  }
0x2e: {  	_ =	sfence  }
0x2f: {  	s30 =	sld [smem:$0x0];
	_ =	sdelay $0x2  }
0x30: {  	s31 =	sshll.u32 s1, $0xD;
	s1 =	sshrl.u32 s1, $0x2  }
0x31: {  	s3 =	sand.u32 $0x4000, s31;
	s1 =	sadd.s32 s1, s30  }
0x32: {  	s0 =	sor.u32 s3, s0;
	s1 =	sshll.u32 s1, $0x11  }
0x33: {  	s0 =	sor.u32 s1, s0  }
0x34: {  	s0 =	sadd.s32 $0x8F2B, s0  }
0x35: {  	[sflag:s0] =	ssyncadd.remote.s32 $0x1  }
0x36: {  	_ =	sfence.sel $0xFFFF  }
0x37: {  	[dreg:$0x0] =	wrdreg $0xFFFFFFFF;
	(pc) =	sbr.abs _section_cstart, $3  }
0x38: {  	[dreg:$0x1] =	wrdreg $0xFFFFFFFF  }
0x39: {  	_ =	task.clear_ibuf [dreg:s7], $0x2FFFF;
	_ =	strace $0x9FFFFFFF  }
0x3a: {  	(tm) =	ssettm $0x7FFFFFFF  }
0x3b: {  	_ =	shalt  }
tec
execute0_lowered:
.L_overlay_start_1:
0x0: {  	(tag) =	ssettag $0x1  }
0x1: {  	s0 =	stileid.u32  }
0x2: {  	s2 =	srdreg.scid;
	s7 =	rddreg [dreg:$0x0]  }
0x3: {  	s6 =	simm.s32 $0x1;
	s31 =	simm.s32 $0x2;
	s16 =	simm.s32 $0x0  }
0x4: {  	s9 =	simm.s32 $0x2000;
	s15 =	simm.s32 $0x0;
	s10 =	simm.s32 $0x0  }
0x5: {  	s11 =	simm.s32 $0x0;
	s14 =	simm.s32 $0x0;
	s1 =	sshll.u32 s0, $0x7  }
0x6: {  	s3 =	sshll.u32 s0, $0x4;
	s2 =	sshll.u32 s2, $0x8;
	s1 =	sand.u32 $0x380, s1  }
0x7: {  	s7 =	sadd.s32 $0x1000, s7;
	s2 =	sor.u32 s3, s2;
	s5 =	ssub.s32 $0x400, s1  }
0x8: {  	s3 =	rddreg [dreg:$0x1];
	s4 =	sand.u32 $0x180, s2;
	s29 =	sand.u32 $0x380, s5  }
0x9: {  	s30 =	ssub.s32 $0x18680, s4;
	s5 =	sshrl.u32 s5, $0xA;
	p0 =	sne.s32 s29, $0x0  }
.Ltmp0:
0xa: {  	s8 =	sshrl.u32 s30, $0x9;
	s6 =	simm.s32 @!p0 $0x0;
	(pc) =	sbr.rel .LBB1_1-.Ltmp0, $4  }
0xb: {  	s2 =	rddreg [dreg:$0x2];
	s8 =	sadd.s32 $0x1, s8;
	s6 =	sadd.s32 s6, s5  }
0xc: {  	_ =	strace $0x8000004A;
	s5 =	simm.s32 $0x1;
	s6 =	smul.u32 s6, s8  }
0xd: {  	s13 =	smov.u32 s1;
	s12 =	smov.u32 s4;
	[sflag:s5] =	ssyncpa.u1 $0x0  }
0xe: {  	p0 =	por $0x0, $0x0;
	[sflag:s31] =	ssyncpa.u1 $0x0;
	s8 =	sadd.s32 $0x1, s6  }
.LBB1_4:
0xf: {  	s21 =	sshra.s32 s21, $0x2;
	s27 =	sshll.u32 s10, $0xA;
	s22 =	sshll.u32 s11, $0x3  }
0x10: {  	s23 =	sshll.u32 s10, $0x7;
	s24 =	sand.u32 $0x78, s11;
	p1 =	sgt.s32 s10, $0x18620  }
0x11: {  	s25 =	sshra.s32 s10, $0x1F;
	s26 =	sshra.s32 s11, $0x1F;
	s20 =	sadd.s32 s21, s20  }
0x12: {  	v5 =	vld [tilespmem:s18+$0xFFFFFFD0];
	[tilespmem:s19+$0x2040 ss:$0x81] =	vst.msk $0xffff, v4;
	s21 =	sand.u32 $0xFFFFE000, s27;
	s22 =	sand.u32 $0xFFFFFC00, s22;
	s28 =	sand.u32 $0x380, s23  }
0x13: {  	v58 =	vld [tilespmem:s18+$0xFFFFFFE0];
	[tilespmem:s19+$0x2850 ss:$0x81] =	vst.msk $0xffff, v3;
	s23 =	smov.u32 s10;
	s30 =	sand.u32 s25, s10;
	s25 =	smov.u32 s11  }
0x14: {  	v59 =	vld [tilespmem:s18+$0xFFFFFFF0];
	[tilespmem:s19+$0x3060 ss:$0x81] =	vst.msk $0xffff, v2;
	s31 =	sand.u32 s26, s11;
	s21 =	sadd.s32 s22, s21;
	s22 =	sor.u32 s24, s28  }
0x15: {  	v60 =	vld [tilespmem:s18+$0x0];
	[tilespmem:s19+$0x0 ss:$0x81] =	vst.msk $0xffff, v1;
	s23 =	simm.s32 @!p1 $0x18620;
	p1 =	sgt.s32 s11, $0x380;
	s21 =	sshrl.u32 s21, $0xA  }
0x16: {  	v61 =	vld [tilespmem:s18+$0x10];
	[tilespmem:s20+$0x3870 ss:$0x81] =	vst.msk $0xffff, v0;
	s19 =	ssub.s32 s23, s30;
	s25 =	simm.s32 @!p1 $0x380;
	s29 =	smulhi.u32 $0x53E2D7, s21  }
0x17: {  	v62 =	vld [tilespmem:s18+$0x20];
	s23 =	ssub.s32 s25, s31;
	s26 =	sadd.s32 $0xFFFE79E0, s19;
	s19 =	ssub.s32 $0x186A0, s19;
	[tilespmem:s20+$0x810 ss:$0x81] =	vst.msk $0xffff, v5  }
0x18: {  	v63 =	vld [tilespmem:s18+$0xFFFFFFC0];
	[tilespmem:s20+$0x1020 ss:$0x81] =	vst.msk $0xffff, v58;
	p1 =	sgt.s32 s26, $0x7F;
	s28 =	sadd.s32 $0xFFFFFC80, s23;
	s24 =	sshrl.u32 s29, $0x7  }
0x19: {  	[tilespmem:s20+$0x1830 ss:$0x81] =	vst.msk $0xffff, v59;
	s23 =	ssub.s32 $0x400, s23;
	p2 =	sgt.s32 s28, $0x7F;
	s27 =	smul.u32 $0x186A0, s24  }
0x1a: {  	s30 =	sand.u32 $0x7, s11;
	[tilespmem:s20+$0x2040 ss:$0x81] =	vst.msk $0xffff, v60;
	s19 =	simm.s32 @p1 $0x0;
	s23 =	simm.s32 @p2 $0x0  }
0x1b: {  	[tilespmem:s20+$0x2850 ss:$0x81] =	vst.msk $0xffff, v61;
	s29 =	sshrl.u32 s22, $0x3;
	s19 =	smul.u32 s23, s19;
	s18 =	ssub.s32 s21, s27  }
0x1c: {  	[tilespmem:s20+$0x3060 ss:$0x81] =	vst.msk $0xffff, v62;
	s22 =	sshll.u32 s30, $0x12;
	s21 =	sadd.s32 s3, s29;
	s18 =	sshll.u32 s18, $0x7  }
0x1d: {  	[tilespmem:s20+$0x0 ss:$0x81] =	vst.msk $0xffff, v63;
	s31 =	sor.u32 $0x400, s22;
	s19 =	sand.u32 $0x3FFFFFFF, s19;
	s18 =	sadd.s32 s18, s21  }
0x1e: {  	[hbm4b:s18+s31] =	stream.strided.scatter [tilespmem:s17], [sflag:$0x2], s19, s9, s31, $0x20;
	[tilespmem:$0x10100] =	vst v63  }
.LBB1_5:
0x1f: {  	p1 =	slt.u32 s14, $0x2  }
0x20: {  	s18 =	smov.u32 s16;
	p2 =	sgt.s32 @!p1 s16, $0x18620;
	s17 =	sshra.s32 @!p1 s16, $0x1F  }
0x21: {  	p3 =	sgt.s32 @!p1 s15, $0x380;
	s19 =	sshra.s32 @!p1 s15, $0x1F;
	p2 =	por !p2, p1  }
0x22: {  	s16 =	sand.u32 @!p1 s17, s16;
	p3 =	por !p3, p1;
	s17 =	smov.u32 s15  }
0x23: {  	s15 =	sand.u32 @!p1 s19, s15;
	s18 =	simm.s32 @p2 $0x18620;
	s17 =	simm.s32 @p3 $0x380  }
0x24: {  	s16 =	ssub.s32 @!p1 s18, s16;
	s15 =	ssub.s32 @!p1 s17, s15  }
0x25: {  	s19 =	smov.u32 s13;
	s17 =	sadd.s32 @!p1 $0xFFFE79E0, s16;
	s18 =	sadd.s32 @!p1 $0xFFFFFC80, s15  }
0x26: {  	s16 =	ssub.s32 @!p1 $0x186A0, s16;
	p2 =	sgt.s32 @!p1 s17, $0x7F;
	p3 =	sgt.s32 @!p1 s18, $0x7F  }
0x27: {  	s15 =	ssub.s32 @!p1 $0x400, s15;
	p2 =	por !p2, p1;
	p3 =	por !p3, p1  }
0x28: {  	s17 =	sadd.s32 $0x200, s12;
	s16 =	simm.s32 @!p2 $0x0;
	s15 =	simm.s32 @!p3 $0x0  }
0x29: {  	p2 =	sgt.s32 s17, $0x1869F;
	s15 =	smul.u32 @!p1 s15, s16;
	s16 =	sadd.s32 $0x400, s13  }
0x2a: {  	s19 =	smov.u32 @p2 s16  }
0x2b: {  	s17 =	smov.u32 @p2 s4;
	p2 =	sgt.s32 s19, $0x3FF  }
0x2c: {  	s19 =	smov.u32 @p2 s1;
	p2 =	sne.s32 s14, s8  }
.Ltmp1:
0x2d: {  	p0 =	por !p0, !p0;
	s18 =	simm.s32 @!p1 $0x2;
	(pc) =	sbr.rel @!p2 .LBB1_6-.Ltmp1, $4  }
0x2e: {  	s16 =	smov.u32 s10;
	s10 =	smov.u32 s12;
	s15 =	sand.u32 @!p1 $0x3FFFFFFF, s15  }
0x2f: {  	s12 =	smov.u32 s17;
	_ =	swait.ge @!p1 [sflag:s18], s15;
	s20 =	ssub.s32 @!p1 $0x0, s15  }
0x30: {  	s15 =	smov.u32 s11;
	s14 =	sadd.s32 $0x1, s14;
	[sflag:s18] =	ssyncset.done @!p1 $0x0  }
0x31: {  	s11 =	smov.u32 s13;
	s13 =	smov.u32 s19;
	[sflag:s18] =	ssyncadd.s32 @!p1 s20  }
.LBB1_1:
0x32: {  	p1 =	sge.u32 s14, s6  }
0x33: {  	s17 =	sshrl.u32 @!p1 s13, $0x3  }
0x34: {  	s18 =	sshll.u32 @!p1 s12, $0x3;
	s17 =	smul.u32 @!p1 $0xC3800, s17  }
0x35: {  	s19 =	sshll.u32 @!p1 s13, $0x7;
	s18 =	sand.u32 @!p1 $0xFFFFFC00, s18  }
0x36: {  	s17 =	sadd.s32 @!p1 s17, s18;
	s18 =	sand.u32 @!p1 $0x380, s19  }
0x37: {  	s19 =	sand.u32 @!p1 $0x7F, s12;
	s17 =	sor.u32 @!p1 s18, s17  }
0x38: {  	s18 =	sor.u32 @!p1 s19, s17  }
0x39: {  	s19 =	smulhi.u32 @!p1 $0xA79C7B17, s18;
	_ =	sdelay $0x1  }
0x3a: {  	s17 =	smulhi.u32 @!p1 $0xA79C7B17, s17;
	s19 =	sshrl.u32 @!p1 s19, $0x10  }
0x3b: {  	s19 =	smul.u32 @!p1 $0x18700, s19  }
0x3c: {  	s31 =	sadd.s32 $0xFFFFFFFF, s14;
	s20 =	sxor.u32 @!p1 $0xFFFFFFFF, s14;
	s17 =	sshrl.u32 @!p1 s17, $0x10  }
0x3d: {  	s20 =	sshll.u32 @!p1 s20, $0xE;
	s17 =	sand.u32 @!p1 $0x3FF, s17;
	s18 =	ssub.s32 @!p1 s18, s19  }
0x3e: {  	s17 =	smul.u32 @!p1 $0x30E0, s17;
	s19 =	sshrl.u32 @!p1 s18, $0x3;
	s18 =	sand.u32 @!p1 $0x7, s18  }
0x3f: {  	s20 =	sand.u32 @!p1 $0x4000, s20;
	s19 =	sadd.s32 @!p1 s7, s19;
	s18 =	sshll.u32 @!p1 s18, $0x12  }
0x40: {  	s17 =	sadd.s32 @!p1 s17, s19;
	s18 =	sor.u32 @!p1 $0x400, s18;
	s19 =	simm.s32 @!p1 $0xC3800  }
0x41: {  	[tilespmem:s20], [sflag:$0x1] =	stream.strided.gather @!p1 [hbm4b:s17+s18], $0x4000, s19, s18, $0x38;
	[tilespmem:$0x10100] =	vst v63  }
0x42: {  	p1 =	sge.u32 s31, s6  }
.Ltmp2:
0x43: {  	_ = 	snop;
	(pc) =	sbr.rel @p1 .LBB1_5-.Ltmp2, $1  }
0x44: {  	_ =	sdelay $0x3  }
0x45: {  	s17 =	simm.s32 $0x1  }
0x46: {  	_ =	swait.ge [sflag:s5], $0x4000;
	s17 =	simm.s32 @!p0 $0x0  }
0x47: {  	[sflag:s5] =	ssyncset.done $0x0;
	s18 =	sshll.u32 s17, $0xE  }
0x48: {  	[sflag:s5] =	ssyncadd.s32 $0xFFFFC000;
	s18 =	sor.u32 $0x40, s18  }
0x49: {  	s17 =	smul.u32 $0x10200, s17;
	v0 =	vld [tilespmem:s18+$0x30]  }
0x4a: {  	v1 =	vld [tilespmem:s18+$0xFFFFFFD0]  }
0x4b: {  	s17 =	sshrl.u32 s17, $0x2;
	v5 =	vld [tilespmem:s18+$0xFFFFFFE0]  }
0x4c: {  	v6 =	vld [tilespmem:s18+$0xFFFFFFF0];
	s20 =	sor.u32 $0x8000, s17  }
0x4d: {  	s31 =	sand.u32 $0x1, s14;
	v4 =	vld [tilespmem:s18+$0x0];
	s19 =	sadd.s32 $0x0, s20  }
0x4e: {  	v3 =	vld [tilespmem:s18+$0x10];
	s17 =	smul.u32 $0x10200, s31;
	[tilespmem:s19+$0x3870 ss:$0x81] =	vst.msk $0xffff, v0  }
0x4f: {  	v2 =	vld [tilespmem:s18+$0x20];
	[tilespmem:s19+$0x810 ss:$0x81] =	vst.msk $0xffff, v1  }
0x50: {  	s17 =	sshrl.u32 s17, $0x2;
	v1 =	vld [tilespmem:s18+$0xFFFFFFC0];
	[tilespmem:s19+$0x1020 ss:$0x81] =	vst.msk $0xffff, v5;
	s18 =	sadd.s32 $0x80, s18  }
0x51: {  	s21 =	simm.s32 $0x4;
	s22 =	simm.s32 $0x8;
	s17 =	sor.u32 $0x8000, s17;
	[tilespmem:s19+$0x1830 ss:$0x81] =	vst.msk $0xffff, v6;
	v0 =	vld [tilespmem:s18+$0x30]  }
.LBB1_3:
0x52: {  	p1 =	sne.s32 s22, $0x1FC;
	v5 =	vld [tilespmem:s18+$0xFFFFFFD0];
	[tilespmem:s19+$0x2040 ss:$0x81] =	vst.msk $0xffff, v4  }
0x53: {  	v6 =	vld [tilespmem:s18+$0xFFFFFFE0];
	[tilespmem:s19+$0x2850 ss:$0x81] =	vst.msk $0xffff, v3  }
0x54: {  	s23 =	sshra.s32 s21, $0x2;
	s21 =	smov.u32 s22;
	v7 =	vld [tilespmem:s18+$0xFFFFFFF0];
	[tilespmem:s19+$0x3060 ss:$0x81] =	vst.msk $0xffff, v2  }
.Ltmp3:
0x55: {  	v4 =	vld [tilespmem:s18+$0x0];
	[tilespmem:s19+$0x0 ss:$0x81] =	vst.msk $0xffff, v1;
	s19 =	sadd.s32 s23, s20;
	(pc) =	sbr.rel @p1 .LBB1_3-.Ltmp3, $4  }
0x56: {  	v3 =	vld [tilespmem:s18+$0x10];
	[tilespmem:s19+$0x3870 ss:$0x81] =	vst.msk $0xffff, v0  }
0x57: {  	[tilespmem:s19+$0x810 ss:$0x81] =	vst.msk $0xffff, v5;
	v2 =	vld [tilespmem:s18+$0x20]  }
0x58: {  	v1 =	vld [tilespmem:s18+$0xFFFFFFC0];
	[tilespmem:s19+$0x1020 ss:$0x81] =	vst.msk $0xffff, v6;
	s18 =	sadd.s32 $0x80, s18  }
0x59: {  	s22 =	sadd.s32 $0x4, s22;
	v0 =	vld [tilespmem:s18+$0x30];
	[tilespmem:s19+$0x1830 ss:$0x81] =	vst.msk $0xffff, v7  }
.Ltmp4:
0x5a: {  	_ = 	snop;
	(pc) =	sbr.rel .LBB1_4-.Ltmp4, $1  }
0x5b: {  	_ =	sdelay $0x3  }
.LBB1_6:
0x5c: {  	_ =	sfence.sel $0x180000  }
0x5d: {  	s1 =	simm.s32 $0x1;
	[bflag:$0x0] =	sbarrier.arrive $0xFFFF  }
0x5e: {  	s31 =	simm.s32 $0x2;
	[sflag:s1] =	ssyncpa.u1 $0x1  }
0x5f: {  	[sflag:s31] =	ssyncpa.u1 $0x1  }
0x60: {  	p0 =	sne.s32 s0, $0x0;
	_ =	strace $0x9000004A  }
0x61: {  	s0 =	sadd.s32 @!p0 $0x100000, s2;
	[bflag:$0x2] =	sbarrier.arrive $0xFFFF  }
0x62: {  	[sflag:s0] =	ssyncadd.tile.s32 @!p0 $0x1;
	_ =	shalt  }
.Lfunc_end1:
_tile_overlayer_lowered:
.L_overlay_start_2:
0x63: {  	(tag) =	ssettag $0x2  }
0x64: {  	s0 =	rddreg [dreg:$0x0];
	s2 =	stileid.u32  }
0x65: {  	s1 =	rddreg [dreg:$0x1];
	p0 =	sne.s32 s2, $0x0  }
0x66: {  	s3 =	rddreg [dreg:$0x2];
	[bflag:$0x3] =	sbarrier.arrive $0xFFFF;
	s2 =	simm.s32 @!p0 $0x1C01  }
0x67: {  	[timem:s3], [sflag:s2] =	dma.local @!p0 [hbm:s0], s1  }
0x68: {  	s0 =	simm.s32 @!p0 $0x1  }
0x69: {  	_ =	swait.ge @!p0 [sflag:s0], s1  }
0x6a: {  	s1 =	ssub.s32 @!p0 $0x0, s1;
	[sflag:s0] =	ssyncset.done @!p0 $0x0  }
0x6b: {  	[sflag:s0] =	ssyncadd.s32 @!p0 s1  }
0x6c: {  	[bflag:$0x3] =	sbarrier.arrive $0xFFFF  }
0x6d: {  	_ =	shalt  }

</sc_bundles>
